<compile_context>
chip_gen: v7x
topology: tpu7x:2x2x1
jax: 0.10.2.dev20260603
libtpu: 0.0.44.dev20260713+nightly
codegen_flags: <defaults>
</compile_context>

<pallas_src>
import functools

import jax
import jax.numpy as jnp
from jax import lax
from jax.experimental import pallas as pl
from jax.experimental.pallas import tpu as pltpu
from jax.experimental.pallas import tpu_sc as plsc

NC = 2
NS = 16
NW = NC * NS
CW = 256
NBUF = 5
WLAG = 2


def _make_gather(n_rows: int, embed_dim: int):
  chunks = n_rows // (NW * CW)
  assert n_rows == chunks * NW * CW
  assert chunks % NBUF == 0
  mesh = plsc.VectorSubcoreMesh(
      core_axis_name="c", subcore_axis_name="s", num_cores=NC,
      num_subcores=NS)

  @functools.partial(
      pl.kernel,
      out_type=jax.ShapeDtypeStruct((n_rows, embed_dim), jnp.float32),
      mesh=mesh,
      scratch_types=[
          pltpu.VMEM((chunks, CW), jnp.int32),
          pltpu.VMEM((NBUF, CW, embed_dim), jnp.float32),
          pltpu.SemaphoreType.DMA((NBUF,)),
          pltpu.SemaphoreType.DMA((NBUF,)),
      ],
      compiler_params=pltpu.CompilerParams(use_tc_tiling_on_sc=False),
  )
  def gather_kernel(table_hbm, idx_hbm, out_hbm, idx_v, rows_v, gsem, wsem):
    wid = lax.axis_index("s") * NC + lax.axis_index("c")
    pltpu.sync_copy(idx_hbm.at[pl.ds(wid * chunks, chunks)], idx_v)
    row0 = wid * chunks * CW

    def gather_copy(i, b):
      return pltpu.make_async_copy(
          table_hbm.at[idx_v.at[i]], rows_v.at[b], gsem.at[b])

    def write_copy(i, b):
      return pltpu.make_async_copy(
          rows_v.at[b], out_hbm.at[pl.ds(row0 + i * CW, CW)], wsem.at[b])

    for b in range(NBUF):
      gather_copy(b, b).start()

    def loop_body(g, carry):
      i0 = g * NBUF
      for b in range(NBUF):
        i = i0 + b
        bf = (b - WLAG) % NBUF

        @pl.when(i >= WLAG)
        def _():
          write_copy(i - WLAG, bf).wait()

          @pl.when(i - WLAG + NBUF < chunks)
          def _():
            gather_copy(i - WLAG + NBUF, bf).start()

        gather_copy(i, b).wait()
        write_copy(i, b).start()
      return carry

    lax.fori_loop(0, chunks // NBUF, loop_body, 0)

    for k in range(WLAG):
      i = chunks - WLAG + k
      write_copy(i, i % NBUF).wait()

  return gather_kernel


def kernel(actions, action_map):
  batch, hist = actions.shape
  n_rows = batch * hist
  _, embed_dim = action_map.shape
  idx = actions.reshape(n_rows // CW, CW).astype(jnp.int32)
  out = _make_gather(n_rows, embed_dim)(action_map, idx)
  return out.reshape(batch, hist, embed_dim)

# --- scband reference (transcript-rebuilt; emitter-appended) ---
"""Pipeline reference for scband-action-mapper-74723841016047 (READ-ONLY COPY).

The authoritative reference and input builder live on the scoring server;
editing this copy changes nothing except your own understanding.
"""

import jax, jax.numpy as jnp
import numpy as np

NUM_ACTIONS = 1000000
EMBED_DIM = 64
BATCH = 4096
HIST = 200

def setup_inputs(seed: int = 0) -> dict:
    key = jax.random.key(seed)
    k1, k2 = jax.random.split(key)
    actions = jax.random.randint(k1, (BATCH, HIST), 0, NUM_ACTIONS, dtype=jnp.int64 if jax.config.read('jax_enable_x64') else jnp.int32)
    # action_map is the (non-trainable in torch, but materialized) embedding table;
    # rand_emb_type='normal' -> randn init, as in ActionMapper.regenerate()
    action_map = jax.random.normal(k2, (NUM_ACTIONS, EMBED_DIM), dtype=jnp.float32)
    return {"actions": actions, "action_map": action_map}

def reference(actions, action_map):
    # ActionMapper.__call__: embeds = self.action_map[actions]
    embeds = jnp.take(action_map, actions, axis=0)
    return embeds

if __name__ == "__main__":
    import jax
    _d = setup_inputs()
    print(jax.jit(kernel)(*tuple(_d.values())))

</pallas_src>

<mosaic_0001>
#map = affine_map<(d0, d1) -> (0, 0)>
module attributes {stable_mosaic.version = 14 : i64} {
  func.func @gather_kernel(%arg0: i32, %arg1: i32, %arg2: memref<1000000x64xf32, #tpu.memory_space<hbm>>, %arg3: memref<3200x256xi32, #tpu.memory_space<hbm>>, %arg4: memref<819200x64xf32, #tpu.memory_space<hbm>>, %arg5: memref<100x256xi32, #tpu.memory_space<vmem>>, %arg6: memref<5x256x64xf32, #tpu.memory_space<vmem>>, %arg7: memref<5x!tpu.dma_semaphore, #tpu.memory_space<semaphore_mem>>, %arg8: memref<5x!tpu.dma_semaphore, #tpu.memory_space<semaphore_mem>>) attributes {dimension_semantics = [#tpu.dimension_semantics<core_parallel>, #tpu.dimension_semantics<subcore_parallel>], iteration_bounds = array<i64: 2, 16>, scalar_prefetch = 0 : i64, scratch_operands = 4 : i64, tpu.core_type = #tpu.core_type<sc_vector_subcore>, window_params = [{transform_indices = #map}, {transform_indices = #map}, {transform_indices = #map}]} {
    %mul3A = arith.constant 2 : i32
    %mul3A_0 = arith.muli %arg1, %mul3A : i32
    %add3A = arith.addi %mul3A_0, %arg0 : i32
    %mul3A_1 = arith.constant 100 : i32
    %mul3A_2 = arith.muli %add3A, %mul3A_1 : i32
    "tpu.region"() ({
      %run_scoped3A = tpu.sem_alloc : memref<!tpu.dma_semaphore, #tpu.memory_space<semaphore_mem>>
      %dma_start3A_121 = arith.constant 0 : i32
      %dma_start3A_122 = tpu.memref_slice %arg3[%mul3A_2, %dma_start3A_121] : memref<3200x256xi32, #tpu.memory_space<hbm>> -> memref<100x256xi32, #tpu.memory_space<hbm>>
      %dma_start3A_123 = arith.constant 0 : i32
      %dma_start3A_124 = tpu.memref_slice %arg3[%mul3A_2, %dma_start3A_123] : memref<3200x256xi32, #tpu.memory_space<hbm>> -> memref<100x256xi32, #tpu.memory_space<hbm>>
      tpu.enqueue_dma source(%dma_start3A_124 : memref<100x256xi32, #tpu.memory_space<hbm>>) target(%arg5 : memref<100x256xi32, #tpu.memory_space<vmem>>) target_semaphore(%run_scoped3A : memref<!tpu.dma_semaphore, #tpu.memory_space<semaphore_mem>>)
      %dma_wait3A_125 = arith.constant 0 : i32
      %dma_wait3A_126 = tpu.memref_slice %arg3[%mul3A_2, %dma_wait3A_125] : memref<3200x256xi32, #tpu.memory_space<hbm>> -> memref<100x256xi32, #tpu.memory_space<hbm>>
      %dma_wait3A_127 = arith.constant 0 : i32
      %dma_wait3A_128 = tpu.memref_slice %arg3[%mul3A_2, %dma_wait3A_127] : memref<3200x256xi32, #tpu.memory_space<hbm>> -> memref<100x256xi32, #tpu.memory_space<hbm>>
      tpu.wait_dma2 semaphore(%run_scoped3A : memref<!tpu.dma_semaphore, #tpu.memory_space<semaphore_mem>>) src(%dma_wait3A_128 : memref<100x256xi32, #tpu.memory_space<hbm>>) dst(%arg5 : memref<100x256xi32, #tpu.memory_space<vmem>>)
      tpu.yield
    }) : () -> ()
    %mul3A_3 = arith.constant 100 : i32
    %mul3A_4 = arith.muli %add3A, %mul3A_3 : i32
    %mul3A_5 = arith.constant 256 : i32
    %mul3A_6 = arith.muli %mul3A_4, %mul3A_5 : i32
    %dma_start3A = arith.constant 0 : i32
    %dma_start3A_7 = arith.constant 0 : i32
    %dma_start3A_8 = arith.constant 0 : i32
    %dma_start3A_9 = arith.constant 0 : i32
    %dma_start3A_10 = arith.constant 0 : i32
    %dma_start3A_11 = tpu.memref_slice %arg6[%dma_start3A_7, %dma_start3A_9, %dma_start3A_10] : memref<5x256x64xf32, #tpu.memory_space<vmem>> -> memref<1x256x64xf32, #tpu.memory_space<vmem>>
    %dma_start3A_12 = tpu.memref_squeeze %dma_start3A_11 : memref<1x256x64xf32, #tpu.memory_space<vmem>> -> memref<256x64xf32, #tpu.memory_space<vmem>>
    %dma_start3A_13 = arith.constant 0 : i32
    %dma_start3A_14 = tpu.memref_slice %arg5[%dma_start3A, %dma_start3A_13] : memref<100x256xi32, #tpu.memory_space<vmem>> -> memref<1x256xi32, #tpu.memory_space<vmem>>
    %dma_start3A_15 = tpu.memref_squeeze %dma_start3A_14 : memref<1x256xi32, #tpu.memory_space<vmem>> -> memref<256xi32, #tpu.memory_space<vmem>>
    %dma_start3A_16 = arith.constant 0 : i32
    %dma_start3A_17 = arith.constant 0 : i32
    %dma_start3A_18 = tpu.memref_slice %arg2[%dma_start3A_16, %dma_start3A_17] : memref<1000000x64xf32, #tpu.memory_space<hbm>> -> memref<1000000x64xf32, #tpu.memory_space<hbm>>
    %dma_start3A_19 = tpu.memref_slice %arg7[%dma_start3A_8] : memref<5x!tpu.dma_semaphore, #tpu.memory_space<semaphore_mem>> -> memref<1x!tpu.dma_semaphore, #tpu.memory_space<semaphore_mem>>
    %dma_start3A_20 = tpu.memref_squeeze %dma_start3A_19 : memref<1x!tpu.dma_semaphore, #tpu.memory_space<semaphore_mem>> -> memref<!tpu.dma_semaphore, #tpu.memory_space<semaphore_mem>>
    tpu.enqueue_indirect_dma source(%dma_start3A_18 : memref<1000000x64xf32, #tpu.memory_space<hbm>>) target(%dma_start3A_12 : memref<256x64xf32, #tpu.memory_space<vmem>>) offsets(%dma_start3A_15 : memref<256xi32, #tpu.memory_space<vmem>>) semaphore(%dma_start3A_20 : memref<!tpu.dma_semaphore, #tpu.memory_space<semaphore_mem>>)
    %dma_start3A_21 = arith.constant 1 : i32
    %dma_start3A_22 = arith.constant 1 : i32
    %dma_start3A_23 = arith.constant 1 : i32
    %dma_start3A_24 = arith.constant 0 : i32
    %dma_start3A_25 = arith.constant 0 : i32
    %dma_start3A_26 = tpu.memref_slice %arg6[%dma_start3A_22, %dma_start3A_24, %dma_start3A_25] : memref<5x256x64xf32, #tpu.memory_space<vmem>> -> memref<1x256x64xf32, #tpu.memory_space<vmem>>
    %dma_start3A_27 = tpu.memref_squeeze %dma_start3A_26 : memref<1x256x64xf32, #tpu.memory_space<vmem>> -> memref<256x64xf32, #tpu.memory_space<vmem>>
    %dma_start3A_28 = arith.constant 0 : i32
    %dma_start3A_29 = tpu.memref_slice %arg5[%dma_start3A_21, %dma_start3A_28] : memref<100x256xi32, #tpu.memory_space<vmem>> -> memref<1x256xi32, #tpu.memory_space<vmem>>
    %dma_start3A_30 = tpu.memref_squeeze %dma_start3A_29 : memref<1x256xi32, #tpu.memory_space<vmem>> -> memref<256xi32, #tpu.memory_space<vmem>>
    %dma_start3A_31 = arith.constant 0 : i32
    %dma_start3A_32 = arith.constant 0 : i32
    %dma_start3A_33 = tpu.memref_slice %arg2[%dma_start3A_31, %dma_start3A_32] : memref<1000000x64xf32, #tpu.memory_space<hbm>> -> memref<1000000x64xf32, #tpu.memory_space<hbm>>
    %dma_start3A_34 = tpu.memref_slice %arg7[%dma_start3A_23] : memref<5x!tpu.dma_semaphore, #tpu.memory_space<semaphore_mem>> -> memref<1x!tpu.dma_semaphore, #tpu.memory_space<semaphore_mem>>
    %dma_start3A_35 = tpu.memref_squeeze %dma_start3A_34 : memref<1x!tpu.dma_semaphore, #tpu.memory_space<semaphore_mem>> -> memref<!tpu.dma_semaphore, #tpu.memory_space<semaphore_mem>>
    tpu.enqueue_indirect_dma source(%dma_start3A_33 : memref<1000000x64xf32, #tpu.memory_space<hbm>>) target(%dma_start3A_27 : memref<256x64xf32, #tpu.memory_space<vmem>>) offsets(%dma_start3A_30 : memref<256xi32, #tpu.memory_space<vmem>>) semaphore(%dma_start3A_35 : memref<!tpu.dma_semaphore, #tpu.memory_space<semaphore_mem>>)
    %dma_start3A_36 = arith.constant 2 : i32
    %dma_start3A_37 = arith.constant 2 : i32
    %dma_start3A_38 = arith.constant 2 : i32
    %dma_start3A_39 = arith.constant 0 : i32
    %dma_start3A_40 = arith.constant 0 : i32
    %dma_start3A_41 = tpu.memref_slice %arg6[%dma_start3A_37, %dma_start3A_39, %dma_start3A_40] : memref<5x256x64xf32, #tpu.memory_space<vmem>> -> memref<1x256x64xf32, #tpu.memory_space<vmem>>
    %dma_start3A_42 = tpu.memref_squeeze %dma_start3A_41 : memref<1x256x64xf32, #tpu.memory_space<vmem>> -> memref<256x64xf32, #tpu.memory_space<vmem>>
    %dma_start3A_43 = arith.constant 0 : i32
    %dma_start3A_44 = tpu.memref_slice %arg5[%dma_start3A_36, %dma_start3A_43] : memref<100x256xi32, #tpu.memory_space<vmem>> -> memref<1x256xi32, #tpu.memory_space<vmem>>
    %dma_start3A_45 = tpu.memref_squeeze %dma_start3A_44 : memref<1x256xi32, #tpu.memory_space<vmem>> -> memref<256xi32, #tpu.memory_space<vmem>>
    %dma_start3A_46 = arith.constant 0 : i32
    %dma_start3A_47 = arith.constant 0 : i32
    %dma_start3A_48 = tpu.memref_slice %arg2[%dma_start3A_46, %dma_start3A_47] : memref<1000000x64xf32, #tpu.memory_space<hbm>> -> memref<1000000x64xf32, #tpu.memory_space<hbm>>
    %dma_start3A_49 = tpu.memref_slice %arg7[%dma_start3A_38] : memref<5x!tpu.dma_semaphore, #tpu.memory_space<semaphore_mem>> -> memref<1x!tpu.dma_semaphore, #tpu.memory_space<semaphore_mem>>
    %dma_start3A_50 = tpu.memref_squeeze %dma_start3A_49 : memref<1x!tpu.dma_semaphore, #tpu.memory_space<semaphore_mem>> -> memref<!tpu.dma_semaphore, #tpu.memory_space<semaphore_mem>>
    tpu.enqueue_indirect_dma source(%dma_start3A_48 : memref<1000000x64xf32, #tpu.memory_space<hbm>>) target(%dma_start3A_42 : memref<256x64xf32, #tpu.memory_space<vmem>>) offsets(%dma_start3A_45 : memref<256xi32, #tpu.memory_space<vmem>>) semaphore(%dma_start3A_50 : memref<!tpu.dma_semaphore, #tpu.memory_space<semaphore_mem>>)
    %dma_start3A_51 = arith.constant 3 : i32
    %dma_start3A_52 = arith.constant 3 : i32
    %dma_start3A_53 = arith.constant 3 : i32
    %dma_start3A_54 = arith.constant 0 : i32
    %dma_start3A_55 = arith.constant 0 : i32
    %dma_start3A_56 = tpu.memref_slice %arg6[%dma_start3A_52, %dma_start3A_54, %dma_start3A_55] : memref<5x256x64xf32, #tpu.memory_space<vmem>> -> memref<1x256x64xf32, #tpu.memory_space<vmem>>
    %dma_start3A_57 = tpu.memref_squeeze %dma_start3A_56 : memref<1x256x64xf32, #tpu.memory_space<vmem>> -> memref<256x64xf32, #tpu.memory_space<vmem>>
    %dma_start3A_58 = arith.constant 0 : i32
    %dma_start3A_59 = tpu.memref_slice %arg5[%dma_start3A_51, %dma_start3A_58] : memref<100x256xi32, #tpu.memory_space<vmem>> -> memref<1x256xi32, #tpu.memory_space<vmem>>
    %dma_start3A_60 = tpu.memref_squeeze %dma_start3A_59 : memref<1x256xi32, #tpu.memory_space<vmem>> -> memref<256xi32, #tpu.memory_space<vmem>>
    %dma_start3A_61 = arith.constant 0 : i32
    %dma_start3A_62 = arith.constant 0 : i32
    %dma_start3A_63 = tpu.memref_slice %arg2[%dma_start3A_61, %dma_start3A_62] : memref<1000000x64xf32, #tpu.memory_space<hbm>> -> memref<1000000x64xf32, #tpu.memory_space<hbm>>
    %dma_start3A_64 = tpu.memref_slice %arg7[%dma_start3A_53] : memref<5x!tpu.dma_semaphore, #tpu.memory_space<semaphore_mem>> -> memref<1x!tpu.dma_semaphore, #tpu.memory_space<semaphore_mem>>
    %dma_start3A_65 = tpu.memref_squeeze %dma_start3A_64 : memref<1x!tpu.dma_semaphore, #tpu.memory_space<semaphore_mem>> -> memref<!tpu.dma_semaphore, #tpu.memory_space<semaphore_mem>>
    tpu.enqueue_indirect_dma source(%dma_start3A_63 : memref<1000000x64xf32, #tpu.memory_space<hbm>>) target(%dma_start3A_57 : memref<256x64xf32, #tpu.memory_space<vmem>>) offsets(%dma_start3A_60 : memref<256xi32, #tpu.memory_space<vmem>>) semaphore(%dma_start3A_65 : memref<!tpu.dma_semaphore, #tpu.memory_space<semaphore_mem>>)
    %dma_start3A_66 = arith.constant 4 : i32
    %dma_start3A_67 = arith.constant 4 : i32
    %dma_start3A_68 = arith.constant 4 : i32
    %dma_start3A_69 = arith.constant 0 : i32
    %dma_start3A_70 = arith.constant 0 : i32
    %dma_start3A_71 = tpu.memref_slice %arg6[%dma_start3A_67, %dma_start3A_69, %dma_start3A_70] : memref<5x256x64xf32, #tpu.memory_space<vmem>> -> memref<1x256x64xf32, #tpu.memory_space<vmem>>
    %dma_start3A_72 = tpu.memref_squeeze %dma_start3A_71 : memref<1x256x64xf32, #tpu.memory_space<vmem>> -> memref<256x64xf32, #tpu.memory_space<vmem>>
    %dma_start3A_73 = arith.constant 0 : i32
    %dma_start3A_74 = tpu.memref_slice %arg5[%dma_start3A_66, %dma_start3A_73] : memref<100x256xi32, #tpu.memory_space<vmem>> -> memref<1x256xi32, #tpu.memory_space<vmem>>
    %dma_start3A_75 = tpu.memref_squeeze %dma_start3A_74 : memref<1x256xi32, #tpu.memory_space<vmem>> -> memref<256xi32, #tpu.memory_space<vmem>>
    %dma_start3A_76 = arith.constant 0 : i32
    %dma_start3A_77 = arith.constant 0 : i32
    %dma_start3A_78 = tpu.memref_slice %arg2[%dma_start3A_76, %dma_start3A_77] : memref<1000000x64xf32, #tpu.memory_space<hbm>> -> memref<1000000x64xf32, #tpu.memory_space<hbm>>
    %dma_start3A_79 = tpu.memref_slice %arg7[%dma_start3A_68] : memref<5x!tpu.dma_semaphore, #tpu.memory_space<semaphore_mem>> -> memref<1x!tpu.dma_semaphore, #tpu.memory_space<semaphore_mem>>
    %dma_start3A_80 = tpu.memref_squeeze %dma_start3A_79 : memref<1x!tpu.dma_semaphore, #tpu.memory_space<semaphore_mem>> -> memref<!tpu.dma_semaphore, #tpu.memory_space<semaphore_mem>>
    tpu.enqueue_indirect_dma source(%dma_start3A_78 : memref<1000000x64xf32, #tpu.memory_space<hbm>>) target(%dma_start3A_72 : memref<256x64xf32, #tpu.memory_space<vmem>>) offsets(%dma_start3A_75 : memref<256xi32, #tpu.memory_space<vmem>>) semaphore(%dma_start3A_80 : memref<!tpu.dma_semaphore, #tpu.memory_space<semaphore_mem>>)
    %scan3A = arith.constant 0 : i32
    %scan3A_81 = arith.constant 0 : i32
    %scan3A_82 = arith.constant 20 : i32
    %scan3A_83 = arith.addi %scan3A_81, %scan3A_82 : i32
    %scan3A_84 = arith.constant 1 : i32
    scf.for %scan3A_121 = %scan3A_81 to %scan3A_83 step %scan3A_84  : i32 {
      %mul3A_122 = arith.constant 5 : i32
      %mul3A_123 = arith.muli %scan3A_121, %mul3A_122 : i32
      %add3A_124 = arith.constant 0 : i32
      %add3A_125 = arith.addi %mul3A_123, %add3A_124 : i32
      %ge3A = arith.constant 2 : i32
      %ge3A_126 = arith.cmpi sge, %add3A_125, %ge3A : i32
      %convert_element_type3A = arith.extui %ge3A_126 : i1 to i32
      %cond3A = arith.constant 0 : i32
      %cond3A_127 = arith.cmpi ne, %convert_element_type3A, %cond3A : i32
      scf.if %cond3A_127 {
        %sub3A = arith.constant 2 : i32
        %sub3A_321 = arith.subi %add3A_125, %sub3A : i32
        %mul3A_322 = arith.constant 256 : i32
        %mul3A_323 = arith.muli %sub3A_321, %mul3A_322 : i32
        %add3A_324 = arith.addi %mul3A_6, %mul3A_323 : i32
        %dma_wait3A_325 = arith.constant 3 : i32
        %dma_wait3A_326 = arith.constant 3 : i32
        %dma_wait3A_327 = arith.constant 0 : i32
        %dma_wait3A_328 = arith.constant 0 : i32
        %dma_wait3A_329 = tpu.memref_slice %arg6[%dma_wait3A_325, %dma_wait3A_327, %dma_wait3A_328] : memref<5x256x64xf32, #tpu.memory_space<vmem>> -> memref<1x256x64xf32, #tpu.memory_space<vmem>>
        %dma_wait3A_330 = tpu.memref_squeeze %dma_wait3A_329 : memref<1x256x64xf32, #tpu.memory_space<vmem>> -> memref<256x64xf32, #tpu.memory_space<vmem>>
        %dma_wait3A_331 = arith.constant 0 : i32
        %dma_wait3A_332 = tpu.memref_slice %arg4[%add3A_324, %dma_wait3A_331] : memref<819200x64xf32, #tpu.memory_space<hbm>> -> memref<256x64xf32, #tpu.memory_space<hbm>>
        %dma_wait3A_333 = tpu.memref_slice %arg8[%dma_wait3A_326] : memref<5x!tpu.dma_semaphore, #tpu.memory_space<semaphore_mem>> -> memref<1x!tpu.dma_semaphore, #tpu.memory_space<semaphore_mem>>
        %dma_wait3A_334 = tpu.memref_squeeze %dma_wait3A_333 : memref<1x!tpu.dma_semaphore, #tpu.memory_space<semaphore_mem>> -> memref<!tpu.dma_semaphore, #tpu.memory_space<semaphore_mem>>
        %dma_wait3A_335 = arith.constant 0 : i32
        %dma_wait3A_336 = tpu.memref_slice %arg4[%add3A_324, %dma_wait3A_335] : memref<819200x64xf32, #tpu.memory_space<hbm>> -> memref<256x64xf32, #tpu.memory_space<hbm>>
        %dma_wait3A_337 = arith.constant 0 : i32
        %dma_wait3A_338 = arith.constant 0 : i32
        %dma_wait3A_339 = tpu.memref_slice %arg6[%dma_wait3A_325, %dma_wait3A_337, %dma_wait3A_338] : memref<5x256x64xf32, #tpu.memory_space<vmem>> -> memref<1x256x64xf32, #tpu.memory_space<vmem>>
        %dma_wait3A_340 = tpu.memref_squeeze %dma_wait3A_339 : memref<1x256x64xf32, #tpu.memory_space<vmem>> -> memref<256x64xf32, #tpu.memory_space<vmem>>
        tpu.wait_dma2 semaphore(%dma_wait3A_334 : memref<!tpu.dma_semaphore, #tpu.memory_space<semaphore_mem>>) src(%dma_wait3A_340 : memref<256x64xf32, #tpu.memory_space<vmem>>) dst(%dma_wait3A_336 : memref<256x64xf32, #tpu.memory_space<hbm>>)
        %sub3A_341 = arith.constant 2 : i32
        %sub3A_342 = arith.subi %add3A_125, %sub3A_341 : i32
        %add3A_343 = arith.constant 5 : i32
        %add3A_344 = arith.addi %sub3A_342, %add3A_343 : i32
        %lt3A = arith.constant 100 : i32
        %lt3A_345 = arith.cmpi slt, %add3A_344, %lt3A : i32
        %convert_element_type3A_346 = arith.extui %lt3A_345 : i1 to i32
        %cond3A_347 = arith.constant 0 : i32
        %cond3A_348 = arith.cmpi ne, %convert_element_type3A_346, %cond3A_347 : i32
        scf.if %cond3A_348 {
          %sub3A_349 = arith.constant 2 : i32
          %sub3A_350 = arith.subi %add3A_125, %sub3A_349 : i32
          %add3A_351 = arith.constant 5 : i32
          %add3A_352 = arith.addi %sub3A_350, %add3A_351 : i32
          %dma_start3A_353 = arith.constant 3 : i32
          %dma_start3A_354 = arith.constant 3 : i32
          %dma_start3A_355 = arith.constant 0 : i32
          %dma_start3A_356 = arith.constant 0 : i32
          %dma_start3A_357 = tpu.memref_slice %arg6[%dma_start3A_353, %dma_start3A_355, %dma_start3A_356] : memref<5x256x64xf32, #tpu.memory_space<vmem>> -> memref<1x256x64xf32, #tpu.memory_space<vmem>>
          %dma_start3A_358 = tpu.memref_squeeze %dma_start3A_357 : memref<1x256x64xf32, #tpu.memory_space<vmem>> -> memref<256x64xf32, #tpu.memory_space<vmem>>
          %dma_start3A_359 = arith.constant 0 : i32
          %dma_start3A_360 = tpu.memref_slice %arg5[%add3A_352, %dma_start3A_359] : memref<100x256xi32, #tpu.memory_space<vmem>> -> memref<1x256xi32, #tpu.memory_space<vmem>>
          %dma_start3A_361 = tpu.memref_squeeze %dma_start3A_360 : memref<1x256xi32, #tpu.memory_space<vmem>> -> memref<256xi32, #tpu.memory_space<vmem>>
          %dma_start3A_362 = arith.constant 0 : i32
          %dma_start3A_363 = arith.constant 0 : i32
          %dma_start3A_364 = tpu.memref_slice %arg2[%dma_start3A_362, %dma_start3A_363] : memref<1000000x64xf32, #tpu.memory_space<hbm>> -> memref<1000000x64xf32, #tpu.memory_space<hbm>>
          %dma_start3A_365 = tpu.memref_slice %arg7[%dma_start3A_354] : memref<5x!tpu.dma_semaphore, #tpu.memory_space<semaphore_mem>> -> memref<1x!tpu.dma_semaphore, #tpu.memory_space<semaphore_mem>>
          %dma_start3A_366 = tpu.memref_squeeze %dma_start3A_365 : memref<1x!tpu.dma_semaphore, #tpu.memory_space<semaphore_mem>> -> memref<!tpu.dma_semaphore, #tpu.memory_space<semaphore_mem>>
          tpu.enqueue_indirect_dma source(%dma_start3A_364 : memref<1000000x64xf32, #tpu.memory_space<hbm>>) target(%dma_start3A_358 : memref<256x64xf32, #tpu.memory_space<vmem>>) offsets(%dma_start3A_361 : memref<256xi32, #tpu.memory_space<vmem>>) semaphore(%dma_start3A_366 : memref<!tpu.dma_semaphore, #tpu.memory_space<semaphore_mem>>)
        } else {
        }
      } else {
      }
      %dma_wait3A_128 = arith.constant 0 : i32
      %dma_wait3A_129 = arith.constant 0 : i32
      %dma_wait3A_130 = arith.constant 0 : i32
      %dma_wait3A_131 = arith.constant 0 : i32
      %dma_wait3A_132 = tpu.memref_slice %arg6[%dma_wait3A_128, %dma_wait3A_130, %dma_wait3A_131] : memref<5x256x64xf32, #tpu.memory_space<vmem>> -> memref<1x256x64xf32, #tpu.memory_space<vmem>>
      %dma_wait3A_133 = tpu.memref_squeeze %dma_wait3A_132 : memref<1x256x64xf32, #tpu.memory_space<vmem>> -> memref<256x64xf32, #tpu.memory_space<vmem>>
      %dma_wait3A_134 = arith.constant 0 : i32
      %dma_wait3A_135 = tpu.memref_slice %arg5[%add3A_125, %dma_wait3A_134] : memref<100x256xi32, #tpu.memory_space<vmem>> -> memref<1x256xi32, #tpu.memory_space<vmem>>
      %dma_wait3A_136 = tpu.memref_squeeze %dma_wait3A_135 : memref<1x256xi32, #tpu.memory_space<vmem>> -> memref<256xi32, #tpu.memory_space<vmem>>
      %dma_wait3A_137 = arith.constant 0 : i32
      %dma_wait3A_138 = arith.constant 0 : i32
      %dma_wait3A_139 = tpu.memref_slice %arg2[%dma_wait3A_137, %dma_wait3A_138] : memref<1000000x64xf32, #tpu.memory_space<hbm>> -> memref<1000000x64xf32, #tpu.memory_space<hbm>>
      %dma_wait3A_140 = tpu.memref_slice %arg7[%dma_wait3A_129] : memref<5x!tpu.dma_semaphore, #tpu.memory_space<semaphore_mem>> -> memref<1x!tpu.dma_semaphore, #tpu.memory_space<semaphore_mem>>
      %dma_wait3A_141 = tpu.memref_squeeze %dma_wait3A_140 : memref<1x!tpu.dma_semaphore, #tpu.memory_space<semaphore_mem>> -> memref<!tpu.dma_semaphore, #tpu.memory_space<semaphore_mem>>
      tpu.wait_indirect_dma semaphore(%dma_wait3A_141 : memref<!tpu.dma_semaphore, #tpu.memory_space<semaphore_mem>>) src(%dma_wait3A_139 : memref<1000000x64xf32, #tpu.memory_space<hbm>>) dst(%dma_wait3A_133 : memref<256x64xf32, #tpu.memory_space<vmem>>)
      %mul3A_142 = arith.constant 256 : i32
      %mul3A_143 = arith.muli %add3A_125, %mul3A_142 : i32
      %add3A_144 = arith.addi %mul3A_6, %mul3A_143 : i32
      %dma_start3A_145 = arith.constant 0 : i32
      %dma_start3A_146 = arith.constant 0 : i32
      %dma_start3A_147 = arith.constant 0 : i32
      %dma_start3A_148 = arith.constant 0 : i32
      %dma_start3A_149 = tpu.memref_slice %arg6[%dma_start3A_145, %dma_start3A_147, %dma_start3A_148] : memref<5x256x64xf32, #tpu.memory_space<vmem>> -> memref<1x256x64xf32, #tpu.memory_space<vmem>>
      %dma_start3A_150 = tpu.memref_squeeze %dma_start3A_149 : memref<1x256x64xf32, #tpu.memory_space<vmem>> -> memref<256x64xf32, #tpu.memory_space<vmem>>
      %dma_start3A_151 = arith.constant 0 : i32
      %dma_start3A_152 = tpu.memref_slice %arg4[%add3A_144, %dma_start3A_151] : memref<819200x64xf32, #tpu.memory_space<hbm>> -> memref<256x64xf32, #tpu.memory_space<hbm>>
      %dma_start3A_153 = tpu.memref_slice %arg8[%dma_start3A_146] : memref<5x!tpu.dma_semaphore, #tpu.memory_space<semaphore_mem>> -> memref<1x!tpu.dma_semaphore, #tpu.memory_space<semaphore_mem>>
      %dma_start3A_154 = tpu.memref_squeeze %dma_start3A_153 : memref<1x!tpu.dma_semaphore, #tpu.memory_space<semaphore_mem>> -> memref<!tpu.dma_semaphore, #tpu.memory_space<semaphore_mem>>
      %dma_start3A_155 = arith.constant 0 : i32
      %dma_start3A_156 = tpu.memref_slice %arg4[%add3A_144, %dma_start3A_155] : memref<819200x64xf32, #tpu.memory_space<hbm>> -> memref<256x64xf32, #tpu.memory_space<hbm>>
      %dma_start3A_157 = arith.constant 0 : i32
      %dma_start3A_158 = arith.constant 0 : i32
      %dma_start3A_159 = tpu.memref_slice %arg6[%dma_start3A_145, %dma_start3A_157, %dma_start3A_158] : memref<5x256x64xf32, #tpu.memory_space<vmem>> -> memref<1x256x64xf32, #tpu.memory_space<vmem>>
      %dma_start3A_160 = tpu.memref_squeeze %dma_start3A_159 : memref<1x256x64xf32, #tpu.memory_space<vmem>> -> memref<256x64xf32, #tpu.memory_space<vmem>>
      tpu.enqueue_dma source(%dma_start3A_160 : memref<256x64xf32, #tpu.memory_space<vmem>>) target(%dma_start3A_156 : memref<256x64xf32, #tpu.memory_space<hbm>>) target_semaphore(%dma_start3A_154 : memref<!tpu.dma_semaphore, #tpu.memory_space<semaphore_mem>>)
      %add3A_161 = arith.constant 1 : i32
      %add3A_162 = arith.addi %mul3A_123, %add3A_161 : i32
      %ge3A_163 = arith.constant 2 : i32
      %ge3A_164 = arith.cmpi sge, %add3A_162, %ge3A_163 : i32
      %convert_element_type3A_165 = arith.extui %ge3A_164 : i1 to i32
      %cond3A_166 = arith.constant 0 : i32
      %cond3A_167 = arith.cmpi ne, %convert_element_type3A_165, %cond3A_166 : i32
      scf.if %cond3A_167 {
        %sub3A = arith.constant 2 : i32
        %sub3A_321 = arith.subi %add3A_162, %sub3A : i32
        %mul3A_322 = arith.constant 256 : i32
        %mul3A_323 = arith.muli %sub3A_321, %mul3A_322 : i32
        %add3A_324 = arith.addi %mul3A_6, %mul3A_323 : i32
        %dma_wait3A_325 = arith.constant 4 : i32
        %dma_wait3A_326 = arith.constant 4 : i32
        %dma_wait3A_327 = arith.constant 0 : i32
        %dma_wait3A_328 = arith.constant 0 : i32
        %dma_wait3A_329 = tpu.memref_slice %arg6[%dma_wait3A_325, %dma_wait3A_327, %dma_wait3A_328] : memref<5x256x64xf32, #tpu.memory_space<vmem>> -> memref<1x256x64xf32, #tpu.memory_space<vmem>>
        %dma_wait3A_330 = tpu.memref_squeeze %dma_wait3A_329 : memref<1x256x64xf32, #tpu.memory_space<vmem>> -> memref<256x64xf32, #tpu.memory_space<vmem>>
        %dma_wait3A_331 = arith.constant 0 : i32
        %dma_wait3A_332 = tpu.memref_slice %arg4[%add3A_324, %dma_wait3A_331] : memref<819200x64xf32, #tpu.memory_space<hbm>> -> memref<256x64xf32, #tpu.memory_space<hbm>>
        %dma_wait3A_333 = tpu.memref_slice %arg8[%dma_wait3A_326] : memref<5x!tpu.dma_semaphore, #tpu.memory_space<semaphore_mem>> -> memref<1x!tpu.dma_semaphore, #tpu.memory_space<semaphore_mem>>
        %dma_wait3A_334 = tpu.memref_squeeze %dma_wait3A_333 : memref<1x!tpu.dma_semaphore, #tpu.memory_space<semaphore_mem>> -> memref<!tpu.dma_semaphore, #tpu.memory_space<semaphore_mem>>
        %dma_wait3A_335 = arith.constant 0 : i32
        %dma_wait3A_336 = tpu.memref_slice %arg4[%add3A_324, %dma_wait3A_335] : memref<819200x64xf32, #tpu.memory_space<hbm>> -> memref<256x64xf32, #tpu.memory_space<hbm>>
        %dma_wait3A_337 = arith.constant 0 : i32
        %dma_wait3A_338 = arith.constant 0 : i32
        %dma_wait3A_339 = tpu.memref_slice %arg6[%dma_wait3A_325, %dma_wait3A_337, %dma_wait3A_338] : memref<5x256x64xf32, #tpu.memory_space<vmem>> -> memref<1x256x64xf32, #tpu.memory_space<vmem>>
        %dma_wait3A_340 = tpu.memref_squeeze %dma_wait3A_339 : memref<1x256x64xf32, #tpu.memory_space<vmem>> -> memref<256x64xf32, #tpu.memory_space<vmem>>
        tpu.wait_dma2 semaphore(%dma_wait3A_334 : memref<!tpu.dma_semaphore, #tpu.memory_space<semaphore_mem>>) src(%dma_wait3A_340 : memref<256x64xf32, #tpu.memory_space<vmem>>) dst(%dma_wait3A_336 : memref<256x64xf32, #tpu.memory_space<hbm>>)
        %sub3A_341 = arith.constant 2 : i32
        %sub3A_342 = arith.subi %add3A_162, %sub3A_341 : i32
        %add3A_343 = arith.constant 5 : i32
        %add3A_344 = arith.addi %sub3A_342, %add3A_343 : i32
        %lt3A = arith.constant 100 : i32
        %lt3A_345 = arith.cmpi slt, %add3A_344, %lt3A : i32
        %convert_element_type3A_346 = arith.extui %lt3A_345 : i1 to i32
        %cond3A_347 = arith.constant 0 : i32
        %cond3A_348 = arith.cmpi ne, %convert_element_type3A_346, %cond3A_347 : i32
        scf.if %cond3A_348 {
          %sub3A_349 = arith.constant 2 : i32
          %sub3A_350 = arith.subi %add3A_162, %sub3A_349 : i32
          %add3A_351 = arith.constant 5 : i32
          %add3A_352 = arith.addi %sub3A_350, %add3A_351 : i32
          %dma_start3A_353 = arith.constant 4 : i32
          %dma_start3A_354 = arith.constant 4 : i32
          %dma_start3A_355 = arith.constant 0 : i32
          %dma_start3A_356 = arith.constant 0 : i32
          %dma_start3A_357 = tpu.memref_slice %arg6[%dma_start3A_353, %dma_start3A_355, %dma_start3A_356] : memref<5x256x64xf32, #tpu.memory_space<vmem>> -> memref<1x256x64xf32, #tpu.memory_space<vmem>>
          %dma_start3A_358 = tpu.memref_squeeze %dma_start3A_357 : memref<1x256x64xf32, #tpu.memory_space<vmem>> -> memref<256x64xf32, #tpu.memory_space<vmem>>
          %dma_start3A_359 = arith.constant 0 : i32
          %dma_start3A_360 = tpu.memref_slice %arg5[%add3A_352, %dma_start3A_359] : memref<100x256xi32, #tpu.memory_space<vmem>> -> memref<1x256xi32, #tpu.memory_space<vmem>>
          %dma_start3A_361 = tpu.memref_squeeze %dma_start3A_360 : memref<1x256xi32, #tpu.memory_space<vmem>> -> memref<256xi32, #tpu.memory_space<vmem>>
          %dma_start3A_362 = arith.constant 0 : i32
          %dma_start3A_363 = arith.constant 0 : i32
          %dma_start3A_364 = tpu.memref_slice %arg2[%dma_start3A_362, %dma_start3A_363] : memref<1000000x64xf32, #tpu.memory_space<hbm>> -> memref<1000000x64xf32, #tpu.memory_space<hbm>>
          %dma_start3A_365 = tpu.memref_slice %arg7[%dma_start3A_354] : memref<5x!tpu.dma_semaphore, #tpu.memory_space<semaphore_mem>> -> memref<1x!tpu.dma_semaphore, #tpu.memory_space<semaphore_mem>>
          %dma_start3A_366 = tpu.memref_squeeze %dma_start3A_365 : memref<1x!tpu.dma_semaphore, #tpu.memory_space<semaphore_mem>> -> memref<!tpu.dma_semaphore, #tpu.memory_space<semaphore_mem>>
          tpu.enqueue_indirect_dma source(%dma_start3A_364 : memref<1000000x64xf32, #tpu.memory_space<hbm>>) target(%dma_start3A_358 : memref<256x64xf32, #tpu.memory_space<vmem>>) offsets(%dma_start3A_361 : memref<256xi32, #tpu.memory_space<vmem>>) semaphore(%dma_start3A_366 : memref<!tpu.dma_semaphore, #tpu.memory_space<semaphore_mem>>)
        } else {
        }
      } else {
      }
      %dma_wait3A_168 = arith.constant 1 : i32
      %dma_wait3A_169 = arith.constant 1 : i32
      %dma_wait3A_170 = arith.constant 0 : i32
      %dma_wait3A_171 = arith.constant 0 : i32
      %dma_wait3A_172 = tpu.memref_slice %arg6[%dma_wait3A_168, %dma_wait3A_170, %dma_wait3A_171] : memref<5x256x64xf32, #tpu.memory_space<vmem>> -> memref<1x256x64xf32, #tpu.memory_space<vmem>>
      %dma_wait3A_173 = tpu.memref_squeeze %dma_wait3A_172 : memref<1x256x64xf32, #tpu.memory_space<vmem>> -> memref<256x64xf32, #tpu.memory_space<vmem>>
      %dma_wait3A_174 = arith.constant 0 : i32
      %dma_wait3A_175 = tpu.memref_slice %arg5[%add3A_162, %dma_wait3A_174] : memref<100x256xi32, #tpu.memory_space<vmem>> -> memref<1x256xi32, #tpu.memory_space<vmem>>
      %dma_wait3A_176 = tpu.memref_squeeze %dma_wait3A_175 : memref<1x256xi32, #tpu.memory_space<vmem>> -> memref<256xi32, #tpu.memory_space<vmem>>
      %dma_wait3A_177 = arith.constant 0 : i32
      %dma_wait3A_178 = arith.constant 0 : i32
      %dma_wait3A_179 = tpu.memref_slice %arg2[%dma_wait3A_177, %dma_wait3A_178] : memref<1000000x64xf32, #tpu.memory_space<hbm>> -> memref<1000000x64xf32, #tpu.memory_space<hbm>>
      %dma_wait3A_180 = tpu.memref_slice %arg7[%dma_wait3A_169] : memref<5x!tpu.dma_semaphore, #tpu.memory_space<semaphore_mem>> -> memref<1x!tpu.dma_semaphore, #tpu.memory_space<semaphore_mem>>
      %dma_wait3A_181 = tpu.memref_squeeze %dma_wait3A_180 : memref<1x!tpu.dma_semaphore, #tpu.memory_space<semaphore_mem>> -> memref<!tpu.dma_semaphore, #tpu.memory_space<semaphore_mem>>
      tpu.wait_indirect_dma semaphore(%dma_wait3A_181 : memref<!tpu.dma_semaphore, #tpu.memory_space<semaphore_mem>>) src(%dma_wait3A_179 : memref<1000000x64xf32, #tpu.memory_space<hbm>>) dst(%dma_wait3A_173 : memref<256x64xf32, #tpu.memory_space<vmem>>)
      %mul3A_182 = arith.constant 256 : i32
      %mul3A_183 = arith.muli %add3A_162, %mul3A_182 : i32
      %add3A_184 = arith.addi %mul3A_6, %mul3A_183 : i32
      %dma_start3A_185 = arith.constant 1 : i32
      %dma_start3A_186 = arith.constant 1 : i32
      %dma_start3A_187 = arith.constant 0 : i32
      %dma_start3A_188 = arith.constant 0 : i32
      %dma_start3A_189 = tpu.memref_slice %arg6[%dma_start3A_185, %dma_start3A_187, %dma_start3A_188] : memref<5x256x64xf32, #tpu.memory_space<vmem>> -> memref<1x256x64xf32, #tpu.memory_space<vmem>>
      %dma_start3A_190 = tpu.memref_squeeze %dma_start3A_189 : memref<1x256x64xf32, #tpu.memory_space<vmem>> -> memref<256x64xf32, #tpu.memory_space<vmem>>
      %dma_start3A_191 = arith.constant 0 : i32
      %dma_start3A_192 = tpu.memref_slice %arg4[%add3A_184, %dma_start3A_191] : memref<819200x64xf32, #tpu.memory_space<hbm>> -> memref<256x64xf32, #tpu.memory_space<hbm>>
      %dma_start3A_193 = tpu.memref_slice %arg8[%dma_start3A_186] : memref<5x!tpu.dma_semaphore, #tpu.memory_space<semaphore_mem>> -> memref<1x!tpu.dma_semaphore, #tpu.memory_space<semaphore_mem>>
      %dma_start3A_194 = tpu.memref_squeeze %dma_start3A_193 : memref<1x!tpu.dma_semaphore, #tpu.memory_space<semaphore_mem>> -> memref<!tpu.dma_semaphore, #tpu.memory_space<semaphore_mem>>
      %dma_start3A_195 = arith.constant 0 : i32
      %dma_start3A_196 = tpu.memref_slice %arg4[%add3A_184, %dma_start3A_195] : memref<819200x64xf32, #tpu.memory_space<hbm>> -> memref<256x64xf32, #tpu.memory_space<hbm>>
      %dma_start3A_197 = arith.constant 0 : i32
      %dma_start3A_198 = arith.constant 0 : i32
      %dma_start3A_199 = tpu.memref_slice %arg6[%dma_start3A_185, %dma_start3A_197, %dma_start3A_198] : memref<5x256x64xf32, #tpu.memory_space<vmem>> -> memref<1x256x64xf32, #tpu.memory_space<vmem>>
      %dma_start3A_200 = tpu.memref_squeeze %dma_start3A_199 : memref<1x256x64xf32, #tpu.memory_space<vmem>> -> memref<256x64xf32, #tpu.memory_space<vmem>>
      tpu.enqueue_dma source(%dma_start3A_200 : memref<256x64xf32, #tpu.memory_space<vmem>>) target(%dma_start3A_196 : memref<256x64xf32, #tpu.memory_space<hbm>>) target_semaphore(%dma_start3A_194 : memref<!tpu.dma_semaphore, #tpu.memory_space<semaphore_mem>>)
      %add3A_201 = arith.constant 2 : i32
      %add3A_202 = arith.addi %mul3A_123, %add3A_201 : i32
      %ge3A_203 = arith.constant 2 : i32
      %ge3A_204 = arith.cmpi sge, %add3A_202, %ge3A_203 : i32
      %convert_element_type3A_205 = arith.extui %ge3A_204 : i1 to i32
      %cond3A_206 = arith.constant 0 : i32
      %cond3A_207 = arith.cmpi ne, %convert_element_type3A_205, %cond3A_206 : i32
      scf.if %cond3A_207 {
        %sub3A = arith.constant 2 : i32
        %sub3A_321 = arith.subi %add3A_202, %sub3A : i32
        %mul3A_322 = arith.constant 256 : i32
        %mul3A_323 = arith.muli %sub3A_321, %mul3A_322 : i32
        %add3A_324 = arith.addi %mul3A_6, %mul3A_323 : i32
        %dma_wait3A_325 = arith.constant 0 : i32
        %dma_wait3A_326 = arith.constant 0 : i32
        %dma_wait3A_327 = arith.constant 0 : i32
        %dma_wait3A_328 = arith.constant 0 : i32
        %dma_wait3A_329 = tpu.memref_slice %arg6[%dma_wait3A_325, %dma_wait3A_327, %dma_wait3A_328] : memref<5x256x64xf32, #tpu.memory_space<vmem>> -> memref<1x256x64xf32, #tpu.memory_space<vmem>>
        %dma_wait3A_330 = tpu.memref_squeeze %dma_wait3A_329 : memref<1x256x64xf32, #tpu.memory_space<vmem>> -> memref<256x64xf32, #tpu.memory_space<vmem>>
        %dma_wait3A_331 = arith.constant 0 : i32
        %dma_wait3A_332 = tpu.memref_slice %arg4[%add3A_324, %dma_wait3A_331] : memref<819200x64xf32, #tpu.memory_space<hbm>> -> memref<256x64xf32, #tpu.memory_space<hbm>>
        %dma_wait3A_333 = tpu.memref_slice %arg8[%dma_wait3A_326] : memref<5x!tpu.dma_semaphore, #tpu.memory_space<semaphore_mem>> -> memref<1x!tpu.dma_semaphore, #tpu.memory_space<semaphore_mem>>
        %dma_wait3A_334 = tpu.memref_squeeze %dma_wait3A_333 : memref<1x!tpu.dma_semaphore, #tpu.memory_space<semaphore_mem>> -> memref<!tpu.dma_semaphore, #tpu.memory_space<semaphore_mem>>
        %dma_wait3A_335 = arith.constant 0 : i32
        %dma_wait3A_336 = tpu.memref_slice %arg4[%add3A_324, %dma_wait3A_335] : memref<819200x64xf32, #tpu.memory_space<hbm>> -> memref<256x64xf32, #tpu.memory_space<hbm>>
        %dma_wait3A_337 = arith.constant 0 : i32
        %dma_wait3A_338 = arith.constant 0 : i32
        %dma_wait3A_339 = tpu.memref_slice %arg6[%dma_wait3A_325, %dma_wait3A_337, %dma_wait3A_338] : memref<5x256x64xf32, #tpu.memory_space<vmem>> -> memref<1x256x64xf32, #tpu.memory_space<vmem>>
        %dma_wait3A_340 = tpu.memref_squeeze %dma_wait3A_339 : memref<1x256x64xf32, #tpu.memory_space<vmem>> -> memref<256x64xf32, #tpu.memory_space<vmem>>
        tpu.wait_dma2 semaphore(%dma_wait3A_334 : memref<!tpu.dma_semaphore, #tpu.memory_space<semaphore_mem>>) src(%dma_wait3A_340 : memref<256x64xf32, #tpu.memory_space<vmem>>) dst(%dma_wait3A_336 : memref<256x64xf32, #tpu.memory_space<hbm>>)
        %sub3A_341 = arith.constant 2 : i32
        %sub3A_342 = arith.subi %add3A_202, %sub3A_341 : i32
        %add3A_343 = arith.constant 5 : i32
        %add3A_344 = arith.addi %sub3A_342, %add3A_343 : i32
        %lt3A = arith.constant 100 : i32
        %lt3A_345 = arith.cmpi slt, %add3A_344, %lt3A : i32
        %convert_element_type3A_346 = arith.extui %lt3A_345 : i1 to i32
        %cond3A_347 = arith.constant 0 : i32
        %cond3A_348 = arith.cmpi ne, %convert_element_type3A_346, %cond3A_347 : i32
        scf.if %cond3A_348 {
          %sub3A_349 = arith.constant 2 : i32
          %sub3A_350 = arith.subi %add3A_202, %sub3A_349 : i32
          %add3A_351 = arith.constant 5 : i32
          %add3A_352 = arith.addi %sub3A_350, %add3A_351 : i32
          %dma_start3A_353 = arith.constant 0 : i32
          %dma_start3A_354 = arith.constant 0 : i32
          %dma_start3A_355 = arith.constant 0 : i32
          %dma_start3A_356 = arith.constant 0 : i32
          %dma_start3A_357 = tpu.memref_slice %arg6[%dma_start3A_353, %dma_start3A_355, %dma_start3A_356] : memref<5x256x64xf32, #tpu.memory_space<vmem>> -> memref<1x256x64xf32, #tpu.memory_space<vmem>>
          %dma_start3A_358 = tpu.memref_squeeze %dma_start3A_357 : memref<1x256x64xf32, #tpu.memory_space<vmem>> -> memref<256x64xf32, #tpu.memory_space<vmem>>
          %dma_start3A_359 = arith.constant 0 : i32
          %dma_start3A_360 = tpu.memref_slice %arg5[%add3A_352, %dma_start3A_359] : memref<100x256xi32, #tpu.memory_space<vmem>> -> memref<1x256xi32, #tpu.memory_space<vmem>>
          %dma_start3A_361 = tpu.memref_squeeze %dma_start3A_360 : memref<1x256xi32, #tpu.memory_space<vmem>> -> memref<256xi32, #tpu.memory_space<vmem>>
          %dma_start3A_362 = arith.constant 0 : i32
          %dma_start3A_363 = arith.constant 0 : i32
          %dma_start3A_364 = tpu.memref_slice %arg2[%dma_start3A_362, %dma_start3A_363] : memref<1000000x64xf32, #tpu.memory_space<hbm>> -> memref<1000000x64xf32, #tpu.memory_space<hbm>>
          %dma_start3A_365 = tpu.memref_slice %arg7[%dma_start3A_354] : memref<5x!tpu.dma_semaphore, #tpu.memory_space<semaphore_mem>> -> memref<1x!tpu.dma_semaphore, #tpu.memory_space<semaphore_mem>>
          %dma_start3A_366 = tpu.memref_squeeze %dma_start3A_365 : memref<1x!tpu.dma_semaphore, #tpu.memory_space<semaphore_mem>> -> memref<!tpu.dma_semaphore, #tpu.memory_space<semaphore_mem>>
          tpu.enqueue_indirect_dma source(%dma_start3A_364 : memref<1000000x64xf32, #tpu.memory_space<hbm>>) target(%dma_start3A_358 : memref<256x64xf32, #tpu.memory_space<vmem>>) offsets(%dma_start3A_361 : memref<256xi32, #tpu.memory_space<vmem>>) semaphore(%dma_start3A_366 : memref<!tpu.dma_semaphore, #tpu.memory_space<semaphore_mem>>)
        } else {
        }
      } else {
      }
      %dma_wait3A_208 = arith.constant 2 : i32
      %dma_wait3A_209 = arith.constant 2 : i32
      %dma_wait3A_210 = arith.constant 0 : i32
      %dma_wait3A_211 = arith.constant 0 : i32
      %dma_wait3A_212 = tpu.memref_slice %arg6[%dma_wait3A_208, %dma_wait3A_210, %dma_wait3A_211] : memref<5x256x64xf32, #tpu.memory_space<vmem>> -> memref<1x256x64xf32, #tpu.memory_space<vmem>>
      %dma_wait3A_213 = tpu.memref_squeeze %dma_wait3A_212 : memref<1x256x64xf32, #tpu.memory_space<vmem>> -> memref<256x64xf32, #tpu.memory_space<vmem>>
      %dma_wait3A_214 = arith.constant 0 : i32
      %dma_wait3A_215 = tpu.memref_slice %arg5[%add3A_202, %dma_wait3A_214] : memref<100x256xi32, #tpu.memory_space<vmem>> -> memref<1x256xi32, #tpu.memory_space<vmem>>
      %dma_wait3A_216 = tpu.memref_squeeze %dma_wait3A_215 : memref<1x256xi32, #tpu.memory_space<vmem>> -> memref<256xi32, #tpu.memory_space<vmem>>
      %dma_wait3A_217 = arith.constant 0 : i32
      %dma_wait3A_218 = arith.constant 0 : i32
      %dma_wait3A_219 = tpu.memref_slice %arg2[%dma_wait3A_217, %dma_wait3A_218] : memref<1000000x64xf32, #tpu.memory_space<hbm>> -> memref<1000000x64xf32, #tpu.memory_space<hbm>>
      %dma_wait3A_220 = tpu.memref_slice %arg7[%dma_wait3A_209] : memref<5x!tpu.dma_semaphore, #tpu.memory_space<semaphore_mem>> -> memref<1x!tpu.dma_semaphore, #tpu.memory_space<semaphore_mem>>
      %dma_wait3A_221 = tpu.memref_squeeze %dma_wait3A_220 : memref<1x!tpu.dma_semaphore, #tpu.memory_space<semaphore_mem>> -> memref<!tpu.dma_semaphore, #tpu.memory_space<semaphore_mem>>
      tpu.wait_indirect_dma semaphore(%dma_wait3A_221 : memref<!tpu.dma_semaphore, #tpu.memory_space<semaphore_mem>>) src(%dma_wait3A_219 : memref<1000000x64xf32, #tpu.memory_space<hbm>>) dst(%dma_wait3A_213 : memref<256x64xf32, #tpu.memory_space<vmem>>)
      %mul3A_222 = arith.constant 256 : i32
      %mul3A_223 = arith.muli %add3A_202, %mul3A_222 : i32
      %add3A_224 = arith.addi %mul3A_6, %mul3A_223 : i32
      %dma_start3A_225 = arith.constant 2 : i32
      %dma_start3A_226 = arith.constant 2 : i32
      %dma_start3A_227 = arith.constant 0 : i32
      %dma_start3A_228 = arith.constant 0 : i32
      %dma_start3A_229 = tpu.memref_slice %arg6[%dma_start3A_225, %dma_start3A_227, %dma_start3A_228] : memref<5x256x64xf32, #tpu.memory_space<vmem>> -> memref<1x256x64xf32, #tpu.memory_space<vmem>>
      %dma_start3A_230 = tpu.memref_squeeze %dma_start3A_229 : memref<1x256x64xf32, #tpu.memory_space<vmem>> -> memref<256x64xf32, #tpu.memory_space<vmem>>
      %dma_start3A_231 = arith.constant 0 : i32
      %dma_start3A_232 = tpu.memref_slice %arg4[%add3A_224, %dma_start3A_231] : memref<819200x64xf32, #tpu.memory_space<hbm>> -> memref<256x64xf32, #tpu.memory_space<hbm>>
      %dma_start3A_233 = tpu.memref_slice %arg8[%dma_start3A_226] : memref<5x!tpu.dma_semaphore, #tpu.memory_space<semaphore_mem>> -> memref<1x!tpu.dma_semaphore, #tpu.memory_space<semaphore_mem>>
      %dma_start3A_234 = tpu.memref_squeeze %dma_start3A_233 : memref<1x!tpu.dma_semaphore, #tpu.memory_space<semaphore_mem>> -> memref<!tpu.dma_semaphore, #tpu.memory_space<semaphore_mem>>
      %dma_start3A_235 = arith.constant 0 : i32
      %dma_start3A_236 = tpu.memref_slice %arg4[%add3A_224, %dma_start3A_235] : memref<819200x64xf32, #tpu.memory_space<hbm>> -> memref<256x64xf32, #tpu.memory_space<hbm>>
      %dma_start3A_237 = arith.constant 0 : i32
      %dma_start3A_238 = arith.constant 0 : i32
      %dma_start3A_239 = tpu.memref_slice %arg6[%dma_start3A_225, %dma_start3A_237, %dma_start3A_238] : memref<5x256x64xf32, #tpu.memory_space<vmem>> -> memref<1x256x64xf32, #tpu.memory_space<vmem>>
      %dma_start3A_240 = tpu.memref_squeeze %dma_start3A_239 : memref<1x256x64xf32, #tpu.memory_space<vmem>> -> memref<256x64xf32, #tpu.memory_space<vmem>>
      tpu.enqueue_dma source(%dma_start3A_240 : memref<256x64xf32, #tpu.memory_space<vmem>>) target(%dma_start3A_236 : memref<256x64xf32, #tpu.memory_space<hbm>>) target_semaphore(%dma_start3A_234 : memref<!tpu.dma_semaphore, #tpu.memory_space<semaphore_mem>>)
      %add3A_241 = arith.constant 3 : i32
      %add3A_242 = arith.addi %mul3A_123, %add3A_241 : i32
      %ge3A_243 = arith.constant 2 : i32
      %ge3A_244 = arith.cmpi sge, %add3A_242, %ge3A_243 : i32
      %convert_element_type3A_245 = arith.extui %ge3A_244 : i1 to i32
      %cond3A_246 = arith.constant 0 : i32
      %cond3A_247 = arith.cmpi ne, %convert_element_type3A_245, %cond3A_246 : i32
      scf.if %cond3A_247 {
        %sub3A = arith.constant 2 : i32
        %sub3A_321 = arith.subi %add3A_242, %sub3A : i32
        %mul3A_322 = arith.constant 256 : i32
        %mul3A_323 = arith.muli %sub3A_321, %mul3A_322 : i32
        %add3A_324 = arith.addi %mul3A_6, %mul3A_323 : i32
        %dma_wait3A_325 = arith.constant 1 : i32
        %dma_wait3A_326 = arith.constant 1 : i32
        %dma_wait3A_327 = arith.constant 0 : i32
        %dma_wait3A_328 = arith.constant 0 : i32
        %dma_wait3A_329 = tpu.memref_slice %arg6[%dma_wait3A_325, %dma_wait3A_327, %dma_wait3A_328] : memref<5x256x64xf32, #tpu.memory_space<vmem>> -> memref<1x256x64xf32, #tpu.memory_space<vmem>>
        %dma_wait3A_330 = tpu.memref_squeeze %dma_wait3A_329 : memref<1x256x64xf32, #tpu.memory_space<vmem>> -> memref<256x64xf32, #tpu.memory_space<vmem>>
        %dma_wait3A_331 = arith.constant 0 : i32
        %dma_wait3A_332 = tpu.memref_slice %arg4[%add3A_324, %dma_wait3A_331] : memref<819200x64xf32, #tpu.memory_space<hbm>> -> memref<256x64xf32, #tpu.memory_space<hbm>>
        %dma_wait3A_333 = tpu.memref_slice %arg8[%dma_wait3A_326] : memref<5x!tpu.dma_semaphore, #tpu.memory_space<semaphore_mem>> -> memref<1x!tpu.dma_semaphore, #tpu.memory_space<semaphore_mem>>
        %dma_wait3A_334 = tpu.memref_squeeze %dma_wait3A_333 : memref<1x!tpu.dma_semaphore, #tpu.memory_space<semaphore_mem>> -> memref<!tpu.dma_semaphore, #tpu.memory_space<semaphore_mem>>
        %dma_wait3A_335 = arith.constant 0 : i32
        %dma_wait3A_336 = tpu.memref_slice %arg4[%add3A_324, %dma_wait3A_335] : memref<819200x64xf32, #tpu.memory_space<hbm>> -> memref<256x64xf32, #tpu.memory_space<hbm>>
        %dma_wait3A_337 = arith.constant 0 : i32
        %dma_wait3A_338 = arith.constant 0 : i32
        %dma_wait3A_339 = tpu.memref_slice %arg6[%dma_wait3A_325, %dma_wait3A_337, %dma_wait3A_338] : memref<5x256x64xf32, #tpu.memory_space<vmem>> -> memref<1x256x64xf32, #tpu.memory_space<vmem>>
        %dma_wait3A_340 = tpu.memref_squeeze %dma_wait3A_339 : memref<1x256x64xf32, #tpu.memory_space<vmem>> -> memref<256x64xf32, #tpu.memory_space<vmem>>
        tpu.wait_dma2 semaphore(%dma_wait3A_334 : memref<!tpu.dma_semaphore, #tpu.memory_space<semaphore_mem>>) src(%dma_wait3A_340 : memref<256x64xf32, #tpu.memory_space<vmem>>) dst(%dma_wait3A_336 : memref<256x64xf32, #tpu.memory_space<hbm>>)
        %sub3A_341 = arith.constant 2 : i32
        %sub3A_342 = arith.subi %add3A_242, %sub3A_341 : i32
        %add3A_343 = arith.constant 5 : i32
        %add3A_344 = arith.addi %sub3A_342, %add3A_343 : i32
        %lt3A = arith.constant 100 : i32
        %lt3A_345 = arith.cmpi slt, %add3A_344, %lt3A : i32
        %convert_element_type3A_346 = arith.extui %lt3A_345 : i1 to i32
        %cond3A_347 = arith.constant 0 : i32
        %cond3A_348 = arith.cmpi ne, %convert_element_type3A_346, %cond3A_347 : i32
        scf.if %cond3A_348 {
          %sub3A_349 = arith.constant 2 : i32
          %sub3A_350 = arith.subi %add3A_242, %sub3A_349 : i32
          %add3A_351 = arith.constant 5 : i32
          %add3A_352 = arith.addi %sub3A_350, %add3A_351 : i32
          %dma_start3A_353 = arith.constant 1 : i32
          %dma_start3A_354 = arith.constant 1 : i32
          %dma_start3A_355 = arith.constant 0 : i32
          %dma_start3A_356 = arith.constant 0 : i32
          %dma_start3A_357 = tpu.memref_slice %arg6[%dma_start3A_353, %dma_start3A_355, %dma_start3A_356] : memref<5x256x64xf32, #tpu.memory_space<vmem>> -> memref<1x256x64xf32, #tpu.memory_space<vmem>>
          %dma_start3A_358 = tpu.memref_squeeze %dma_start3A_357 : memref<1x256x64xf32, #tpu.memory_space<vmem>> -> memref<256x64xf32, #tpu.memory_space<vmem>>
          %dma_start3A_359 = arith.constant 0 : i32
          %dma_start3A_360 = tpu.memref_slice %arg5[%add3A_352, %dma_start3A_359] : memref<100x256xi32, #tpu.memory_space<vmem>> -> memref<1x256xi32, #tpu.memory_space<vmem>>
          %dma_start3A_361 = tpu.memref_squeeze %dma_start3A_360 : memref<1x256xi32, #tpu.memory_space<vmem>> -> memref<256xi32, #tpu.memory_space<vmem>>
          %dma_start3A_362 = arith.constant 0 : i32
          %dma_start3A_363 = arith.constant 0 : i32
          %dma_start3A_364 = tpu.memref_slice %arg2[%dma_start3A_362, %dma_start3A_363] : memref<1000000x64xf32, #tpu.memory_space<hbm>> -> memref<1000000x64xf32, #tpu.memory_space<hbm>>
          %dma_start3A_365 = tpu.memref_slice %arg7[%dma_start3A_354] : memref<5x!tpu.dma_semaphore, #tpu.memory_space<semaphore_mem>> -> memref<1x!tpu.dma_semaphore, #tpu.memory_space<semaphore_mem>>
          %dma_start3A_366 = tpu.memref_squeeze %dma_start3A_365 : memref<1x!tpu.dma_semaphore, #tpu.memory_space<semaphore_mem>> -> memref<!tpu.dma_semaphore, #tpu.memory_space<semaphore_mem>>
          tpu.enqueue_indirect_dma source(%dma_start3A_364 : memref<1000000x64xf32, #tpu.memory_space<hbm>>) target(%dma_start3A_358 : memref<256x64xf32, #tpu.memory_space<vmem>>) offsets(%dma_start3A_361 : memref<256xi32, #tpu.memory_space<vmem>>) semaphore(%dma_start3A_366 : memref<!tpu.dma_semaphore, #tpu.memory_space<semaphore_mem>>)
        } else {
        }
      } else {
      }
      %dma_wait3A_248 = arith.constant 3 : i32
      %dma_wait3A_249 = arith.constant 3 : i32
      %dma_wait3A_250 = arith.constant 0 : i32
      %dma_wait3A_251 = arith.constant 0 : i32
      %dma_wait3A_252 = tpu.memref_slice %arg6[%dma_wait3A_248, %dma_wait3A_250, %dma_wait3A_251] : memref<5x256x64xf32, #tpu.memory_space<vmem>> -> memref<1x256x64xf32, #tpu.memory_space<vmem>>
      %dma_wait3A_253 = tpu.memref_squeeze %dma_wait3A_252 : memref<1x256x64xf32, #tpu.memory_space<vmem>> -> memref<256x64xf32, #tpu.memory_space<vmem>>
      %dma_wait3A_254 = arith.constant 0 : i32
      %dma_wait3A_255 = tpu.memref_slice %arg5[%add3A_242, %dma_wait3A_254] : memref<100x256xi32, #tpu.memory_space<vmem>> -> memref<1x256xi32, #tpu.memory_space<vmem>>
      %dma_wait3A_256 = tpu.memref_squeeze %dma_wait3A_255 : memref<1x256xi32, #tpu.memory_space<vmem>> -> memref<256xi32, #tpu.memory_space<vmem>>
      %dma_wait3A_257 = arith.constant 0 : i32
      %dma_wait3A_258 = arith.constant 0 : i32
      %dma_wait3A_259 = tpu.memref_slice %arg2[%dma_wait3A_257, %dma_wait3A_258] : memref<1000000x64xf32, #tpu.memory_space<hbm>> -> memref<1000000x64xf32, #tpu.memory_space<hbm>>
      %dma_wait3A_260 = tpu.memref_slice %arg7[%dma_wait3A_249] : memref<5x!tpu.dma_semaphore, #tpu.memory_space<semaphore_mem>> -> memref<1x!tpu.dma_semaphore, #tpu.memory_space<semaphore_mem>>
      %dma_wait3A_261 = tpu.memref_squeeze %dma_wait3A_260 : memref<1x!tpu.dma_semaphore, #tpu.memory_space<semaphore_mem>> -> memref<!tpu.dma_semaphore, #tpu.memory_space<semaphore_mem>>
      tpu.wait_indirect_dma semaphore(%dma_wait3A_261 : memref<!tpu.dma_semaphore, #tpu.memory_space<semaphore_mem>>) src(%dma_wait3A_259 : memref<1000000x64xf32, #tpu.memory_space<hbm>>) dst(%dma_wait3A_253 : memref<256x64xf32, #tpu.memory_space<vmem>>)
      %mul3A_262 = arith.constant 256 : i32
      %mul3A_263 = arith.muli %add3A_242, %mul3A_262 : i32
      %add3A_264 = arith.addi %mul3A_6, %mul3A_263 : i32
      %dma_start3A_265 = arith.constant 3 : i32
      %dma_start3A_266 = arith.constant 3 : i32
      %dma_start3A_267 = arith.constant 0 : i32
      %dma_start3A_268 = arith.constant 0 : i32
      %dma_start3A_269 = tpu.memref_slice %arg6[%dma_start3A_265, %dma_start3A_267, %dma_start3A_268] : memref<5x256x64xf32, #tpu.memory_space<vmem>> -> memref<1x256x64xf32, #tpu.memory_space<vmem>>
      %dma_start3A_270 = tpu.memref_squeeze %dma_start3A_269 : memref<1x256x64xf32, #tpu.memory_space<vmem>> -> memref<256x64xf32, #tpu.memory_space<vmem>>
      %dma_start3A_271 = arith.constant 0 : i32
      %dma_start3A_272 = tpu.memref_slice %arg4[%add3A_264, %dma_start3A_271] : memref<819200x64xf32, #tpu.memory_space<hbm>> -> memref<256x64xf32, #tpu.memory_space<hbm>>
      %dma_start3A_273 = tpu.memref_slice %arg8[%dma_start3A_266] : memref<5x!tpu.dma_semaphore, #tpu.memory_space<semaphore_mem>> -> memref<1x!tpu.dma_semaphore, #tpu.memory_space<semaphore_mem>>
      %dma_start3A_274 = tpu.memref_squeeze %dma_start3A_273 : memref<1x!tpu.dma_semaphore, #tpu.memory_space<semaphore_mem>> -> memref<!tpu.dma_semaphore, #tpu.memory_space<semaphore_mem>>
      %dma_start3A_275 = arith.constant 0 : i32
      %dma_start3A_276 = tpu.memref_slice %arg4[%add3A_264, %dma_start3A_275] : memref<819200x64xf32, #tpu.memory_space<hbm>> -> memref<256x64xf32, #tpu.memory_space<hbm>>
      %dma_start3A_277 = arith.constant 0 : i32
      %dma_start3A_278 = arith.constant 0 : i32
      %dma_start3A_279 = tpu.memref_slice %arg6[%dma_start3A_265, %dma_start3A_277, %dma_start3A_278] : memref<5x256x64xf32, #tpu.memory_space<vmem>> -> memref<1x256x64xf32, #tpu.memory_space<vmem>>
      %dma_start3A_280 = tpu.memref_squeeze %dma_start3A_279 : memref<1x256x64xf32, #tpu.memory_space<vmem>> -> memref<256x64xf32, #tpu.memory_space<vmem>>
      tpu.enqueue_dma source(%dma_start3A_280 : memref<256x64xf32, #tpu.memory_space<vmem>>) target(%dma_start3A_276 : memref<256x64xf32, #tpu.memory_space<hbm>>) target_semaphore(%dma_start3A_274 : memref<!tpu.dma_semaphore, #tpu.memory_space<semaphore_mem>>)
      %add3A_281 = arith.constant 4 : i32
      %add3A_282 = arith.addi %mul3A_123, %add3A_281 : i32
      %ge3A_283 = arith.constant 2 : i32
      %ge3A_284 = arith.cmpi sge, %add3A_282, %ge3A_283 : i32
      %convert_element_type3A_285 = arith.extui %ge3A_284 : i1 to i32
      %cond3A_286 = arith.constant 0 : i32
      %cond3A_287 = arith.cmpi ne, %convert_element_type3A_285, %cond3A_286 : i32
      scf.if %cond3A_287 {
        %sub3A = arith.constant 2 : i32
        %sub3A_321 = arith.subi %add3A_282, %sub3A : i32
        %mul3A_322 = arith.constant 256 : i32
        %mul3A_323 = arith.muli %sub3A_321, %mul3A_322 : i32
        %add3A_324 = arith.addi %mul3A_6, %mul3A_323 : i32
        %dma_wait3A_325 = arith.constant 2 : i32
        %dma_wait3A_326 = arith.constant 2 : i32
        %dma_wait3A_327 = arith.constant 0 : i32
        %dma_wait3A_328 = arith.constant 0 : i32
        %dma_wait3A_329 = tpu.memref_slice %arg6[%dma_wait3A_325, %dma_wait3A_327, %dma_wait3A_328] : memref<5x256x64xf32, #tpu.memory_space<vmem>> -> memref<1x256x64xf32, #tpu.memory_space<vmem>>
        %dma_wait3A_330 = tpu.memref_squeeze %dma_wait3A_329 : memref<1x256x64xf32, #tpu.memory_space<vmem>> -> memref<256x64xf32, #tpu.memory_space<vmem>>
        %dma_wait3A_331 = arith.constant 0 : i32
        %dma_wait3A_332 = tpu.memref_slice %arg4[%add3A_324, %dma_wait3A_331] : memref<819200x64xf32, #tpu.memory_space<hbm>> -> memref<256x64xf32, #tpu.memory_space<hbm>>
        %dma_wait3A_333 = tpu.memref_slice %arg8[%dma_wait3A_326] : memref<5x!tpu.dma_semaphore, #tpu.memory_space<semaphore_mem>> -> memref<1x!tpu.dma_semaphore, #tpu.memory_space<semaphore_mem>>
        %dma_wait3A_334 = tpu.memref_squeeze %dma_wait3A_333 : memref<1x!tpu.dma_semaphore, #tpu.memory_space<semaphore_mem>> -> memref<!tpu.dma_semaphore, #tpu.memory_space<semaphore_mem>>
        %dma_wait3A_335 = arith.constant 0 : i32
        %dma_wait3A_336 = tpu.memref_slice %arg4[%add3A_324, %dma_wait3A_335] : memref<819200x64xf32, #tpu.memory_space<hbm>> -> memref<256x64xf32, #tpu.memory_space<hbm>>
        %dma_wait3A_337 = arith.constant 0 : i32
        %dma_wait3A_338 = arith.constant 0 : i32
        %dma_wait3A_339 = tpu.memref_slice %arg6[%dma_wait3A_325, %dma_wait3A_337, %dma_wait3A_338] : memref<5x256x64xf32, #tpu.memory_space<vmem>> -> memref<1x256x64xf32, #tpu.memory_space<vmem>>
        %dma_wait3A_340 = tpu.memref_squeeze %dma_wait3A_339 : memref<1x256x64xf32, #tpu.memory_space<vmem>> -> memref<256x64xf32, #tpu.memory_space<vmem>>
        tpu.wait_dma2 semaphore(%dma_wait3A_334 : memref<!tpu.dma_semaphore, #tpu.memory_space<semaphore_mem>>) src(%dma_wait3A_340 : memref<256x64xf32, #tpu.memory_space<vmem>>) dst(%dma_wait3A_336 : memref<256x64xf32, #tpu.memory_space<hbm>>)
        %sub3A_341 = arith.constant 2 : i32
        %sub3A_342 = arith.subi %add3A_282, %sub3A_341 : i32
        %add3A_343 = arith.constant 5 : i32
        %add3A_344 = arith.addi %sub3A_342, %add3A_343 : i32
        %lt3A = arith.constant 100 : i32
        %lt3A_345 = arith.cmpi slt, %add3A_344, %lt3A : i32
        %convert_element_type3A_346 = arith.extui %lt3A_345 : i1 to i32
        %cond3A_347 = arith.constant 0 : i32
        %cond3A_348 = arith.cmpi ne, %convert_element_type3A_346, %cond3A_347 : i32
        scf.if %cond3A_348 {
          %sub3A_349 = arith.constant 2 : i32
          %sub3A_350 = arith.subi %add3A_282, %sub3A_349 : i32
          %add3A_351 = arith.constant 5 : i32
          %add3A_352 = arith.addi %sub3A_350, %add3A_351 : i32
          %dma_start3A_353 = arith.constant 2 : i32
          %dma_start3A_354 = arith.constant 2 : i32
          %dma_start3A_355 = arith.constant 0 : i32
          %dma_start3A_356 = arith.constant 0 : i32
          %dma_start3A_357 = tpu.memref_slice %arg6[%dma_start3A_353, %dma_start3A_355, %dma_start3A_356] : memref<5x256x64xf32, #tpu.memory_space<vmem>> -> memref<1x256x64xf32, #tpu.memory_space<vmem>>
          %dma_start3A_358 = tpu.memref_squeeze %dma_start3A_357 : memref<1x256x64xf32, #tpu.memory_space<vmem>> -> memref<256x64xf32, #tpu.memory_space<vmem>>
          %dma_start3A_359 = arith.constant 0 : i32
          %dma_start3A_360 = tpu.memref_slice %arg5[%add3A_352, %dma_start3A_359] : memref<100x256xi32, #tpu.memory_space<vmem>> -> memref<1x256xi32, #tpu.memory_space<vmem>>
          %dma_start3A_361 = tpu.memref_squeeze %dma_start3A_360 : memref<1x256xi32, #tpu.memory_space<vmem>> -> memref<256xi32, #tpu.memory_space<vmem>>
          %dma_start3A_362 = arith.constant 0 : i32
          %dma_start3A_363 = arith.constant 0 : i32
          %dma_start3A_364 = tpu.memref_slice %arg2[%dma_start3A_362, %dma_start3A_363] : memref<1000000x64xf32, #tpu.memory_space<hbm>> -> memref<1000000x64xf32, #tpu.memory_space<hbm>>
          %dma_start3A_365 = tpu.memref_slice %arg7[%dma_start3A_354] : memref<5x!tpu.dma_semaphore, #tpu.memory_space<semaphore_mem>> -> memref<1x!tpu.dma_semaphore, #tpu.memory_space<semaphore_mem>>
          %dma_start3A_366 = tpu.memref_squeeze %dma_start3A_365 : memref<1x!tpu.dma_semaphore, #tpu.memory_space<semaphore_mem>> -> memref<!tpu.dma_semaphore, #tpu.memory_space<semaphore_mem>>
          tpu.enqueue_indirect_dma source(%dma_start3A_364 : memref<1000000x64xf32, #tpu.memory_space<hbm>>) target(%dma_start3A_358 : memref<256x64xf32, #tpu.memory_space<vmem>>) offsets(%dma_start3A_361 : memref<256xi32, #tpu.memory_space<vmem>>) semaphore(%dma_start3A_366 : memref<!tpu.dma_semaphore, #tpu.memory_space<semaphore_mem>>)
        } else {
        }
      } else {
      }
      %dma_wait3A_288 = arith.constant 4 : i32
      %dma_wait3A_289 = arith.constant 4 : i32
      %dma_wait3A_290 = arith.constant 0 : i32
      %dma_wait3A_291 = arith.constant 0 : i32
      %dma_wait3A_292 = tpu.memref_slice %arg6[%dma_wait3A_288, %dma_wait3A_290, %dma_wait3A_291] : memref<5x256x64xf32, #tpu.memory_space<vmem>> -> memref<1x256x64xf32, #tpu.memory_space<vmem>>
      %dma_wait3A_293 = tpu.memref_squeeze %dma_wait3A_292 : memref<1x256x64xf32, #tpu.memory_space<vmem>> -> memref<256x64xf32, #tpu.memory_space<vmem>>
      %dma_wait3A_294 = arith.constant 0 : i32
      %dma_wait3A_295 = tpu.memref_slice %arg5[%add3A_282, %dma_wait3A_294] : memref<100x256xi32, #tpu.memory_space<vmem>> -> memref<1x256xi32, #tpu.memory_space<vmem>>
      %dma_wait3A_296 = tpu.memref_squeeze %dma_wait3A_295 : memref<1x256xi32, #tpu.memory_space<vmem>> -> memref<256xi32, #tpu.memory_space<vmem>>
      %dma_wait3A_297 = arith.constant 0 : i32
      %dma_wait3A_298 = arith.constant 0 : i32
      %dma_wait3A_299 = tpu.memref_slice %arg2[%dma_wait3A_297, %dma_wait3A_298] : memref<1000000x64xf32, #tpu.memory_space<hbm>> -> memref<1000000x64xf32, #tpu.memory_space<hbm>>
      %dma_wait3A_300 = tpu.memref_slice %arg7[%dma_wait3A_289] : memref<5x!tpu.dma_semaphore, #tpu.memory_space<semaphore_mem>> -> memref<1x!tpu.dma_semaphore, #tpu.memory_space<semaphore_mem>>
      %dma_wait3A_301 = tpu.memref_squeeze %dma_wait3A_300 : memref<1x!tpu.dma_semaphore, #tpu.memory_space<semaphore_mem>> -> memref<!tpu.dma_semaphore, #tpu.memory_space<semaphore_mem>>
      tpu.wait_indirect_dma semaphore(%dma_wait3A_301 : memref<!tpu.dma_semaphore, #tpu.memory_space<semaphore_mem>>) src(%dma_wait3A_299 : memref<1000000x64xf32, #tpu.memory_space<hbm>>) dst(%dma_wait3A_293 : memref<256x64xf32, #tpu.memory_space<vmem>>)
      %mul3A_302 = arith.constant 256 : i32
      %mul3A_303 = arith.muli %add3A_282, %mul3A_302 : i32
      %add3A_304 = arith.addi %mul3A_6, %mul3A_303 : i32
      %dma_start3A_305 = arith.constant 4 : i32
      %dma_start3A_306 = arith.constant 4 : i32
      %dma_start3A_307 = arith.constant 0 : i32
      %dma_start3A_308 = arith.constant 0 : i32
      %dma_start3A_309 = tpu.memref_slice %arg6[%dma_start3A_305, %dma_start3A_307, %dma_start3A_308] : memref<5x256x64xf32, #tpu.memory_space<vmem>> -> memref<1x256x64xf32, #tpu.memory_space<vmem>>
      %dma_start3A_310 = tpu.memref_squeeze %dma_start3A_309 : memref<1x256x64xf32, #tpu.memory_space<vmem>> -> memref<256x64xf32, #tpu.memory_space<vmem>>
      %dma_start3A_311 = arith.constant 0 : i32
      %dma_start3A_312 = tpu.memref_slice %arg4[%add3A_304, %dma_start3A_311] : memref<819200x64xf32, #tpu.memory_space<hbm>> -> memref<256x64xf32, #tpu.memory_space<hbm>>
      %dma_start3A_313 = tpu.memref_slice %arg8[%dma_start3A_306] : memref<5x!tpu.dma_semaphore, #tpu.memory_space<semaphore_mem>> -> memref<1x!tpu.dma_semaphore, #tpu.memory_space<semaphore_mem>>
      %dma_start3A_314 = tpu.memref_squeeze %dma_start3A_313 : memref<1x!tpu.dma_semaphore, #tpu.memory_space<semaphore_mem>> -> memref<!tpu.dma_semaphore, #tpu.memory_space<semaphore_mem>>
      %dma_start3A_315 = arith.constant 0 : i32
      %dma_start3A_316 = tpu.memref_slice %arg4[%add3A_304, %dma_start3A_315] : memref<819200x64xf32, #tpu.memory_space<hbm>> -> memref<256x64xf32, #tpu.memory_space<hbm>>
      %dma_start3A_317 = arith.constant 0 : i32
      %dma_start3A_318 = arith.constant 0 : i32
      %dma_start3A_319 = tpu.memref_slice %arg6[%dma_start3A_305, %dma_start3A_317, %dma_start3A_318] : memref<5x256x64xf32, #tpu.memory_space<vmem>> -> memref<1x256x64xf32, #tpu.memory_space<vmem>>
      %dma_start3A_320 = tpu.memref_squeeze %dma_start3A_319 : memref<1x256x64xf32, #tpu.memory_space<vmem>> -> memref<256x64xf32, #tpu.memory_space<vmem>>
      tpu.enqueue_dma source(%dma_start3A_320 : memref<256x64xf32, #tpu.memory_space<vmem>>) target(%dma_start3A_316 : memref<256x64xf32, #tpu.memory_space<hbm>>) target_semaphore(%dma_start3A_314 : memref<!tpu.dma_semaphore, #tpu.memory_space<semaphore_mem>>)
    }
    %scan3A_85 = arith.constant 20 : i32
    %add3A_86 = arith.constant 25088 : i32
    %add3A_87 = arith.addi %mul3A_6, %add3A_86 : i32
    %dma_wait3A = arith.constant 3 : i32
    %dma_wait3A_88 = arith.constant 3 : i32
    %dma_wait3A_89 = arith.constant 0 : i32
    %dma_wait3A_90 = arith.constant 0 : i32
    %dma_wait3A_91 = tpu.memref_slice %arg6[%dma_wait3A, %dma_wait3A_89, %dma_wait3A_90] : memref<5x256x64xf32, #tpu.memory_space<vmem>> -> memref<1x256x64xf32, #tpu.memory_space<vmem>>
    %dma_wait3A_92 = tpu.memref_squeeze %dma_wait3A_91 : memref<1x256x64xf32, #tpu.memory_space<vmem>> -> memref<256x64xf32, #tpu.memory_space<vmem>>
    %dma_wait3A_93 = arith.constant 0 : i32
    %dma_wait3A_94 = tpu.memref_slice %arg4[%add3A_87, %dma_wait3A_93] : memref<819200x64xf32, #tpu.memory_space<hbm>> -> memref<256x64xf32, #tpu.memory_space<hbm>>
    %dma_wait3A_95 = tpu.memref_slice %arg8[%dma_wait3A_88] : memref<5x!tpu.dma_semaphore, #tpu.memory_space<semaphore_mem>> -> memref<1x!tpu.dma_semaphore, #tpu.memory_space<semaphore_mem>>
    %dma_wait3A_96 = tpu.memref_squeeze %dma_wait3A_95 : memref<1x!tpu.dma_semaphore, #tpu.memory_space<semaphore_mem>> -> memref<!tpu.dma_semaphore, #tpu.memory_space<semaphore_mem>>
    %dma_wait3A_97 = arith.constant 0 : i32
    %dma_wait3A_98 = tpu.memref_slice %arg4[%add3A_87, %dma_wait3A_97] : memref<819200x64xf32, #tpu.memory_space<hbm>> -> memref<256x64xf32, #tpu.memory_space<hbm>>
    %dma_wait3A_99 = arith.constant 0 : i32
    %dma_wait3A_100 = arith.constant 0 : i32
    %dma_wait3A_101 = tpu.memref_slice %arg6[%dma_wait3A, %dma_wait3A_99, %dma_wait3A_100] : memref<5x256x64xf32, #tpu.memory_space<vmem>> -> memref<1x256x64xf32, #tpu.memory_space<vmem>>
    %dma_wait3A_102 = tpu.memref_squeeze %dma_wait3A_101 : memref<1x256x64xf32, #tpu.memory_space<vmem>> -> memref<256x64xf32, #tpu.memory_space<vmem>>
    tpu.wait_dma2 semaphore(%dma_wait3A_96 : memref<!tpu.dma_semaphore, #tpu.memory_space<semaphore_mem>>) src(%dma_wait3A_102 : memref<256x64xf32, #tpu.memory_space<vmem>>) dst(%dma_wait3A_98 : memref<256x64xf32, #tpu.memory_space<hbm>>)
    %add3A_103 = arith.constant 25344 : i32
    %add3A_104 = arith.addi %mul3A_6, %add3A_103 : i32
    %dma_wait3A_105 = arith.constant 4 : i32
    %dma_wait3A_106 = arith.constant 4 : i32
    %dma_wait3A_107 = arith.constant 0 : i32
    %dma_wait3A_108 = arith.constant 0 : i32
    %dma_wait3A_109 = tpu.memref_slice %arg6[%dma_wait3A_105, %dma_wait3A_107, %dma_wait3A_108] : memref<5x256x64xf32, #tpu.memory_space<vmem>> -> memref<1x256x64xf32, #tpu.memory_space<vmem>>
    %dma_wait3A_110 = tpu.memref_squeeze %dma_wait3A_109 : memref<1x256x64xf32, #tpu.memory_space<vmem>> -> memref<256x64xf32, #tpu.memory_space<vmem>>
    %dma_wait3A_111 = arith.constant 0 : i32
    %dma_wait3A_112 = tpu.memref_slice %arg4[%add3A_104, %dma_wait3A_111] : memref<819200x64xf32, #tpu.memory_space<hbm>> -> memref<256x64xf32, #tpu.memory_space<hbm>>
    %dma_wait3A_113 = tpu.memref_slice %arg8[%dma_wait3A_106] : memref<5x!tpu.dma_semaphore, #tpu.memory_space<semaphore_mem>> -> memref<1x!tpu.dma_semaphore, #tpu.memory_space<semaphore_mem>>
    %dma_wait3A_114 = tpu.memref_squeeze %dma_wait3A_113 : memref<1x!tpu.dma_semaphore, #tpu.memory_space<semaphore_mem>> -> memref<!tpu.dma_semaphore, #tpu.memory_space<semaphore_mem>>
    %dma_wait3A_115 = arith.constant 0 : i32
    %dma_wait3A_116 = tpu.memref_slice %arg4[%add3A_104, %dma_wait3A_115] : memref<819200x64xf32, #tpu.memory_space<hbm>> -> memref<256x64xf32, #tpu.memory_space<hbm>>
    %dma_wait3A_117 = arith.constant 0 : i32
    %dma_wait3A_118 = arith.constant 0 : i32
    %dma_wait3A_119 = tpu.memref_slice %arg6[%dma_wait3A_105, %dma_wait3A_117, %dma_wait3A_118] : memref<5x256x64xf32, #tpu.memory_space<vmem>> -> memref<1x256x64xf32, #tpu.memory_space<vmem>>
    %dma_wait3A_120 = tpu.memref_squeeze %dma_wait3A_119 : memref<1x256x64xf32, #tpu.memory_space<vmem>> -> memref<256x64xf32, #tpu.memory_space<vmem>>
    tpu.wait_dma2 semaphore(%dma_wait3A_114 : memref<!tpu.dma_semaphore, #tpu.memory_space<semaphore_mem>>) src(%dma_wait3A_120 : memref<256x64xf32, #tpu.memory_space<vmem>>) dst(%dma_wait3A_116 : memref<256x64xf32, #tpu.memory_space<hbm>>)
    return
  }
}

</mosaic_0001>

<sc_bundles>
// kernel: kernel.3.cloned.1.call-start
scs
__scs_entry_jumppad:
0x0: {  	(pc) =	sbr.rel $0x88, $3  }
0x1: {  	(tag) =	ssettag $0x0;
	lr =	simm.s32 $0x1  }
0x2: {  	[smem:$0x3F9F] =	sst lr;
	_ =	strace $0xD0000000  }
0x3: {  	_ = 	snop  }
0x4: {  	_ = 	snop  }
0x5: {  	_ = 	snop  }
0x6: {  	_ = 	snop  }
0x7: {  	_ = 	snop  }
__scs_overlays_trampoline_lowered:
0x8: {  	[smem:$0x3FAE] =	sst s0  }
0x9: {  	[smem:$0x3FAF] =	sst s1  }
0xa: {  	[smem:$0x3FB0] =	sst s2  }
0xb: {  	[smem:$0x3FB1] =	sst s3  }
0xc: {  	[smem:$0x3FB2] =	sst s4  }
0xd: {  	[smem:$0x3FB3] =	sst s5  }
0xe: {  	[smem:$0x3FB4] =	sst s6  }
0xf: {  	[smem:$0x3FB5] =	sst s7  }
0x10: {  	[smem:$0x3FB6] =	sst s8  }
0x11: {  	[smem:$0x3FB7] =	sst s9;
	s0 =	simm.s32 @!p0 $0x0  }
0x12: {  	s1 =	sld [smem:$0x3F9D];
	s0 =	simm.s32 @p0 $0x1  }
0x13: {  	[smem:$0x3FB8] =	sst s0;
	s0 =	simm.s32 @!p1 $0x0  }
0x14: {  	s2 =	sld [smem:$0x3F9C];
	s0 =	simm.s32 @p1 $0x1  }
0x15: {  	[smem:$0x3FB9] =	sst s0;
	s0 =	simm.s32 @!p2 $0x0  }
0x16: {  	s3 =	sld [smem:$0x3FDB];
	s0 =	simm.s32 @p2 $0x1  }
0x17: {  	s4 =	simm.s32 $0x1BF5;
	[smem:$0x3FBB] =	sst s0  }
0x18: {  	s0 =	sld [smem:$0x3F9E];
	_ =	swait.ge [sflag:s4], $0x0  }
0x19: {  	s7 =	sld [smem:$0x3F9F]  }
0x1a: {  	s8 =	sadd.s32 $0xFFFFE003, lr  }
0x1b: {  	s9 =	sadd.s32 $0xFFFFFEF7, lr;
	s5 =	simm.s32 $0xFFFFFFFF;
	p2 =	slt.u32 s8, $0xFFFFF086  }
0x1c: {  	p1 =	slt.u32 s9, $0xF7A;
	s5 =	simm.s32 @!p2 $0x0  }
0x1d: {  	s5 =	simm.s32 @p1 $0x1;
	p0 =	seq.s32 s7, s2  }
0x1e: {  	s7 =	smul.u32 @!p0 $0xF7A, s2;
	p2 =	seq.s32 @!p0 s5, $0x0  }
0x1f: {  	s9 =	smul.u32 $0xF7A, s1;
	s8 =	simm.s32 @!p0 $0x1BF5;
	p2 =	por !p2, p0  }
0x20: {  	[sflag:s8] =	ssyncset.s32 @!p0 $0xFFFFF086;
	s6 =	sadd.s32 @!p0 s3, s7;
	s7 =	simm.s32 @!p0 $0x108  }
0x21: {  	s3 =	sadd.s32 s3, s9;
	s6 =	sadd.s32 @!p0 $0x88, s6;
	s7 =	simm.s32 @p2 $0x1082  }
0x22: {  	[simem:s7], [sflag:s8] =	dma.local @!p0 [hbm:s6], $0xF7A  }
0x23: {  	s9 =	sor.u32 $0xD0000000, s2;
	s6 =	simm.s32 $0x108;
	_ =	swait.ge @!p0 [sflag:s8], $0x0  }
0x24: {  	s3 =	sadd.s32 $0x88, s3;
	s6 =	simm.s32 @!p1 $0x1082;
	[sflag:s4] =	ssyncset.s32 $0xFFFFF086  }
0x25: {  	[simem:s6], [sflag:s4] =	dma.local [hbm:s3], $0xF7A  }
0x26: {  	[smem:$0x3F9F] =	sst s1;
	(tag) =	ssettag s2;
	_ =	strace s9  }
0x27: {  	s1 =	sld [smem:$0x3FAF]  }
0x28: {  	s2 =	sld [smem:$0x3FB0]  }
0x29: {  	s4 =	sld [smem:$0x3FB2]  }
0x2a: {  	p0 =	seq.s32 s5, $0x0;
	s5 =	sld [smem:$0x3FB3]  }
0x2b: {  	s6 =	sld [smem:$0x3FB4]  }
0x2c: {  	s7 =	sld [smem:$0x3FB5]  }
0x2d: {  	s3 =	simm.s32 $0x108;
	s8 =	sld [smem:$0x3FB6]  }
0x2e: {  	s3 =	simm.s32 @!p0 $0x1082;
	s9 =	sld [smem:$0x3FB7]  }
0x2f: {  	lr =	sadd.s32 s0, s3;
	s0 =	sld [smem:$0x3FAE]  }
0x30: {  	s3 =	sld [smem:$0x3FB1]  }
0x31: {  	[smem:$0x3FBA] =	sst s10  }
0x32: {  	s10 =	sld [smem:$0x3FB8];
	_ =	sdelay $0x3  }
0x33: {  	p0 =	seq.s32 s10, $0x1;
	s10 =	sld [smem:$0x3FBA];
	_ =	sdelay $0x3  }
0x34: {  	[smem:$0x3FBA] =	sst s10  }
0x35: {  	s10 =	sld [smem:$0x3FB9];
	_ =	sdelay $0x3  }
0x36: {  	p1 =	seq.s32 s10, $0x1;
	s10 =	sld [smem:$0x3FBA];
	_ =	sdelay $0x3  }
0x37: {  	[smem:$0x3FBA] =	sst s10  }
0x38: {  	s10 =	sld [smem:$0x3FBB]  }
0x39: {  	_ = 	snop;
	(pc) =	sbr.ind lr, $3  }
0x3a: {  	_ = 	snop  }
0x3b: {  	_ = 	snop  }
0x3c: {  	p2 =	seq.s32 s10, $0x1;
	s10 =	sld [smem:$0x3FBA]  }
0x3d: {  	_ =	shalt  }
0x3e: {  	_ =	shalt  }
0x3f: {  	_ =	shalt  }
0x40: {  	_ =	shalt  }
0x41: {  	_ =	shalt  }
0x42: {  	_ =	shalt  }
0x43: {  	_ =	shalt  }
0x44: {  	_ =	shalt  }
0x45: {  	_ =	shalt  }
0x46: {  	_ =	shalt  }
0x47: {  	_ =	shalt  }
0x48: {  	_ =	shalt  }
0x49: {  	_ =	shalt  }
0x4a: {  	_ =	shalt  }
0x4b: {  	_ =	shalt  }
0x4c: {  	_ =	shalt  }
0x4d: {  	_ =	shalt  }
0x4e: {  	_ =	shalt  }
0x4f: {  	_ =	shalt  }
0x50: {  	_ =	shalt  }
0x51: {  	_ =	shalt  }
0x52: {  	_ =	shalt  }
0x53: {  	_ =	shalt  }
0x54: {  	_ =	shalt  }
0x55: {  	_ =	shalt  }
0x56: {  	_ =	shalt  }
0x57: {  	_ =	shalt  }
0x58: {  	_ =	shalt  }
0x59: {  	_ =	shalt  }
0x5a: {  	_ =	shalt  }
0x5b: {  	_ =	shalt  }
0x5c: {  	_ =	shalt  }
0x5d: {  	_ =	shalt  }
0x5e: {  	_ =	shalt  }
0x5f: {  	_ =	shalt  }
0x60: {  	_ =	shalt  }
0x61: {  	_ =	shalt  }
0x62: {  	_ =	shalt  }
0x63: {  	_ =	shalt  }
0x64: {  	_ =	shalt  }
0x65: {  	_ =	shalt  }
0x66: {  	_ =	shalt  }
0x67: {  	_ =	shalt  }
0x68: {  	_ =	shalt  }
0x69: {  	_ =	shalt  }
0x6a: {  	_ =	shalt  }
0x6b: {  	_ =	shalt  }
0x6c: {  	_ =	shalt  }
0x6d: {  	_ =	shalt  }
0x6e: {  	_ =	shalt  }
0x6f: {  	_ =	shalt  }
0x70: {  	_ =	shalt  }
0x71: {  	_ =	shalt  }
0x72: {  	_ =	shalt  }
0x73: {  	_ =	shalt  }
0x74: {  	_ =	shalt  }
0x75: {  	_ =	shalt  }
0x76: {  	_ =	shalt  }
0x77: {  	_ =	shalt  }
0x78: {  	_ =	shalt  }
0x79: {  	_ =	shalt  }
0x7a: {  	_ =	shalt  }
0x7b: {  	_ =	shalt  }
0x7c: {  	_ =	shalt  }
0x7d: {  	_ =	shalt  }
0x7e: {  	_ =	shalt  }
0x7f: {  	_ =	shalt  }
0x80: {  	_ =	shalt  }
0x81: {  	_ =	shalt  }
0x82: {  	_ =	shalt  }
0x83: {  	_ =	shalt  }
0x84: {  	_ =	shalt  }
0x85: {  	_ =	shalt  }
0x86: {  	_ =	shalt  }
0x87: {  	_ =	shalt  }
.Lfunc_end0:
.L_simem_size_0:
called_computation.1_lowered:
.L_overlay_start_0:
0x88: {  	s2 =	sld [smem:$0x3FD9]  }
0x89: {  	s3 =	sld [smem:$0x3FFE];
	_ =	sdelay $0x1  }
0x8a: {  	s1 =	srdreg.scid  }
0x8b: {  	s0 =	sand.u32 $0x1, s1  }
0x8c: {  	s17 =	sshll.u32 s0, $0xA;
	s2 =	sadd.s32 s3, s2  }
0x8d: {  	s2 =	sadd.s32 s2, s17  }
0x8e: {  	[smem:$0x3FC6] =	sst s2  }
0x8f: {  	_ = 	snop  }
0x90: {  	s2 =	sld [smem:$0x3FD0];
	(tm) =	ssettm $0x1  }
0x91: {  	s18 =	sld [smem:$0x3FFB];
	_ =	sdelay $0x3  }
0x92: {  	_ =	strace s18  }
0x93: {  	s3 =	sld [smem:$0x3FFC];
	_ =	sdelay $0x3  }
0x94: {  	_ =	strace s3  }
0x95: {  	s3 =	sld [smem:$0x3FFD];
	_ =	sdelay $0x3  }
0x96: {  	_ =	strace s3  }
0x97: {  	_ =	strace $0x8FFFFFFF  }
0x98: {  	s19 =	sld [smem:$0x3FDB];
	_ =	sdelay $0x1  }
0x99: {  	s4 =	simm.s32 $_scs_section_size  }
0x9a: {  	s5 =	simm.s32 $_size__tile_overlayer_lowered;
	s6 =	simm.s32 $_tile_overlayer_lowered  }
0x9b: {  	s22 =	simm.s32 $0x1BFF;
	s21 =	sshll.u32 s6, $0x1;
	s3 =	sadd.s32 s4, s19  }
0x9c: {  	s7 =	simm.s32 $0x0;
	s20 =	sshll.u32 s5, $0x1;
	s5 =	sadd.s32 s21, s3  }
0x9d: {  	[timem:s7], [sflag:s22] =	dma.local [hbm:s5], s20  }
0x9e: {  	_ =	swait.ge [sflag:s22], s20  }
0x9f: {  	s4 =	ssub.s32 $0x0, s20;
	[sflag:s22] =	ssyncset.done $0x0  }
0xa0: {  	[sflag:s22] =	ssyncadd.s32 s4;
	_ =	sdelay $0x1  }
0xa1: {  	s23 =	simm.s32 $0x1B8B  }
0xa2: {  	_ =	swait.ge [sflag:s23], $0x1  }
0xa3: {  	[sflag:s23] =	ssyncset.done $0x0  }
0xa4: {  	s25 =	simm.s32 $0x1B8E;
	s24 =	sld [smem:$0x3FFE];
	[sflag:s23] =	ssyncadd.s32 $0xFFFFFFFF  }
0xa5: {  	s26 =	simm.s32 $execute0_lowered;
	[smem:$0x3FD2] =	sst s25  }
0xa6: {  	s5 =	sshll.u32 s26, $0x1;
	_ =	strace $0x80000046;
	[dreg:$0x1] =	wrdreg $0xFFFFFFFF  }
0xa7: {  	s28 =	simm.s32 $_size_execute0_lowered;
	s3 =	sadd.s32 s3, s5;
	[dreg:$0x0] =	wrdreg $0x0  }
0xa8: {  	s5 =	sshll.u32 s28, $0x1;
	[dreg:$0x2] =	wrdreg s3  }
0xa9: {  	[dreg:$0x3] =	wrdreg s5  }
0xaa: {  	[dreg:$0x4] =	wrdreg $0xC0  }
0xab: {  	_ =	task [dreg:s7], $0x5FFFF  }
0xac: {  	[dreg:$0x1] =	wrdreg $0xFFFFFFFF  }
0xad: {  	[dreg:$0x0] =	wrdreg $0x60  }
0xae: {  	[dreg:$0x2] =	wrdreg s24  }
0xaf: {  	[dreg:$0x3] =	wrdreg s2  }
0xb0: {  	[dreg:$0x4] =	wrdreg $0x9  }
0xb1: {  	_ =	task.clear_ibuf [dreg:s7], $0x5FFFF;
	_ =	strace $0x90000046  }
0xb2: {  	s29 =	simm.s32 $0x9;
	_ =	strace $0x80000048  }
0xb3: {  	_ =	swait.ge [sflag:s29], $0x1  }
0xb4: {  	[sflag:s29] =	ssyncadd.s32 $0xFFFFFFFF  }
0xb5: {  	_ =	strace $0x90000048  }
0xb6: {  	_ =	sfence  }
0xb7: {  	s30 =	sld [smem:$0x0];
	_ =	sdelay $0x2  }
0xb8: {  	s31 =	sshll.u32 s1, $0xD;
	s1 =	sshrl.u32 s1, $0x2  }
0xb9: {  	s3 =	sand.u32 $0x4000, s31;
	s1 =	sadd.s32 s1, s30  }
0xba: {  	s0 =	sor.u32 s3, s0;
	s1 =	sshll.u32 s1, $0x11  }
0xbb: {  	s0 =	sor.u32 s1, s0  }
0xbc: {  	s0 =	sadd.s32 $0x8F2B, s0  }
0xbd: {  	[sflag:s0] =	ssyncadd.remote.s32 $0x1  }
0xbe: {  	_ =	sfence.sel $0xFFFF  }
0xbf: {  	[dreg:$0x0] =	wrdreg $0xFFFFFFFF;
	(pc) =	sbr.abs _section_cstart, $3  }
0xc0: {  	[dreg:$0x1] =	wrdreg $0xFFFFFFFF  }
0xc1: {  	_ =	task.clear_ibuf [dreg:s7], $0x2FFFF;
	_ =	strace $0x9FFFFFFF  }
0xc2: {  	(tm) =	ssettm $0x7FFFFFFF  }
0xc3: {  	_ =	shalt  }
tec
execute0_lowered:
.L_overlay_start_1:
0x0: {  	(tag) =	ssettag $0x1  }
0x1: {  	s0 =	srdreg.scid;
	s1 =	rddreg [dreg:$0x0]  }
0x2: {  	s11 =	stileid.u32;
	s4 =	rddreg [dreg:$0x1]  }
0x3: {  	s12 =	simm.s32 $0x100;
	s13 =	simm.s32 $0x6400;
	s6 =	smul.u32 $0xC800, s11  }
0x4: {  	s14 =	simm.s32 $0xA400;
	s16 =	simm.s32 $0xE400;
	s9 =	smul.u32 $0x64000, s11  }
0x5: {  	s18 =	simm.s32 $0x12400;
	s0 =	sand.u32 $0x1, s0;
	s21 =	smul.u32 $0x320000, s11  }
0x6: {  	s28 =	simm.s32 $0x8;
	s2 =	sshll.u32 s11, $0x1;
	s7 =	smul.u32 $0x6400, s0  }
0x7: {  	s29 =	simm.s32 $0x5;
	s3 =	sor.u32 s0, s2;
	s10 =	smul.u32 $0x32000, s0  }
0x8: {  	s2 =	simm.s32 $0x0;
	s8 =	ssub.s32 $0x2, s0;
	s0 =	smul.u32 $0x190000, s0  }
0x9: {  	s5 =	smul.u32 $0xC80, s3;
	[smem:$0x7FF] =	sst s2;
	s3 =	sadd.s32 $0xF42E00, s1  }
0xa: {  	s20 =	sshrl.u32 s8, $0x1;
	s23 =	sadd.s32 s9, s4;
	_ =	strace $0x80000047  }
0xb: {  	s6 =	sadd.s32 s7, s6;
	s24 =	sadd.s32 s10, s23;
	s0 =	sadd.s32 s0, s21  }
0xc: {  	s21 =	simm.s32 $0x1;
	s23 =	simm.s32 $0x6;
	s1 =	sadd.s32 s5, s1  }
0xd: {  	s5 =	ssub.s32 s8, s20;
	s22 =	sshll.u32 s6, $0x3;
	[dreg:$0x6] =	wrdreg s24  }
0xe: {  	s25 =	sadd.s32 $0x10000, s0;
	s26 =	sor.u32 $0xC000, s0;
	s0 =	sor.u32 $0x4000, s0  }
0xf: {  	s20 =	simm.s32 $0x16400;
	s24 =	simm.s32 $0x3;
	s1 =	sadd.s32 $0xA00, s1  }
0x10: {  	s5 =	smax.u32 s5, $0x1;
	s0 =	sshrl.u32 s0, $0x3;
	[dreg:$0x3] =	wrdreg s1  }
0x11: {  	[dreg:$0x4] =	wrdreg s5;
	s1 =	sadd.s32 s22, s4;
	s0 =	sadd.s32 s0, s4  }
0x12: {  	s5 =	sshrl.u32 s26, $0x3;
	s1 =	sadd.s32 $0x1000, s1;
	[dreg:$0x8] =	wrdreg s0  }
0x13: {  	s22 =	simm.s32 $0x2;
	s31 =	sadd.s32 s5, s4;
	[dreg:$0x5] =	wrdreg s1  }
0x14: {  	s26 =	simm.s32 $0x4;
	s1 =	sshrl.u32 s25, $0x3;
	[dreg:$0x7] =	wrdreg s31  }
0x15: {  	s25 =	simm.s32 $0x7;
	s30 =	sadd.s32 s1, s4;
	s1 =	simm.s32 $0x0  }
.LBB2_1:
0x16: {  	s0 =	rddreg [dreg:$0x3];
	s15 =	simm.s32 $0xB  }
0x17: {  	[tilespmem:s2], [sflag:$0xB] =	stream.linear.gather [hbm4b:s0+s2], $0x6400, $0x38;
	[tilespmem:$0x1A400] =	vst v63  }
0x18: {  	_ =	swait.ge [sflag:s15], $0x6400  }
0x19: {  	[sflag:s15] =	ssyncset.done $0x0  }
0x1a: {  	[sflag:s15] =	ssyncadd.s32 $0xFFFF9C00  }
0x1b: {  	[tilespmem:s13], [sflag:$0x1] =	stream.indirect.gather [hbm4b:s3+s12], $0x40, s2, s12, $0xb8;
	[tilespmem:$0x1A400] =	vst v63  }
0x1c: {  	_ = 	snop  }
0x1d: {  	[tilespmem:s14], [sflag:$0x2] =	stream.indirect.gather [hbm4b:s3+s12], $0x40, s12, s12, $0xb8;
	[tilespmem:$0x1A400] =	vst v63  }
0x1e: {  	s17 =	simm.s32 $0x200  }
0x1f: {  	[tilespmem:s16], [sflag:$0x3] =	stream.indirect.gather [hbm4b:s3+s12], $0x40, s17, s12, $0xb8;
	[tilespmem:$0x1A400] =	vst v63  }
0x20: {  	s19 =	simm.s32 $0x300;
	p0 =	por $0x1, $0x1  }
0x21: {  	[tilespmem:s18], [sflag:$0x4] =	stream.indirect.gather [hbm4b:s3+s12], $0x40, s19, s12, $0xb8;
	[tilespmem:$0x1A400] =	vst v63  }
0x22: {  	s31 =	simm.s32 $0x400;
	s0 =	simm.s32 @!p0 $0x9  }
0x23: {  	[tilespmem:s20], [sflag:$0x5] =	stream.indirect.gather [hbm4b:s3+s12], $0x40, s31, s12, $0xb8;
	[tilespmem:$0x1A400] =	vst v63  }
0x24: {  	_ =	swait.ge @!p0 [sflag:s0], $0x4000  }
0x25: {  	s4 =	simm.s32 @!p0 $0x12400;
	[sflag:s0] =	ssyncset.done @!p0 $0x0  }
0x26: {  	s5 =	simm.s32 @!p0 $0x100;
	[sflag:s0] =	ssyncadd.s32 @!p0 $0xFFFFC000;
	s0 =	simm.s32 @!p0 $0x300  }
0x27: {  	[tilespmem:s4], [sflag:$0x4] =	stream.indirect.gather @!p0 [hbm4b:s3+s5], $0x40, s0, s5, $0xb8;
	[tilespmem:$0x1A400] =	vst v63  }
0x28: {  	_ =	swait.ge [sflag:s21], $0x4000  }
0x29: {  	[sflag:s21] =	ssyncset.done $0x0  }
0x2a: {  	s0 =	simm.s32 @!p0 $0xA;
	s7 =	rddreg [dreg:$0x6];
	[sflag:s21] =	ssyncadd.s32 $0xFFFFC000  }
0x2b: {  	[hbm4b:s7+s2] =	stream.linear.scatter [tilespmem:s13], [sflag:$0x6], $0x4000, $0x38;
	[tilespmem:$0x1A400] =	vst v63  }
0x2c: {  	_ =	swait.ge @!p0 [sflag:s0], $0x4000  }
0x2d: {  	[sflag:s0] =	ssyncset.done @!p0 $0x0  }
0x2e: {  	s4 =	simm.s32 @!p0 $0x400;
	[sflag:s0] =	ssyncadd.s32 @!p0 $0xFFFFC000;
	s0 =	simm.s32 @!p0 $0x16400  }
0x2f: {  	[tilespmem:s0], [sflag:$0x5] =	stream.indirect.gather @!p0 [hbm4b:s3+s5], $0x40, s4, s5, $0xb8;
	[tilespmem:$0x1A400] =	vst v63  }
0x30: {  	_ =	swait.ge [sflag:s22], $0x4000  }
0x31: {  	[sflag:s22] =	ssyncset.done $0x0  }
0x32: {  	s8 =	rddreg [dreg:$0x8];
	[sflag:s22] =	ssyncadd.s32 $0xFFFFC000  }
0x33: {  	[hbm4b:s8+s2] =	stream.linear.scatter [tilespmem:s14], [sflag:$0x7], $0x4000, $0x38;
	[tilespmem:$0x1A400] =	vst v63  }
0x34: {  	p0 =	por $0x0, $0x0;
	_ =	swait.ge [sflag:s23], $0x4000  }
0x35: {  	s0 =	simm.s32 @!p0 $0x6400;
	[sflag:s23] =	ssyncset.done $0x0  }
0x36: {  	s4 =	simm.s32 @!p0 $0x500;
	s5 =	simm.s32 @!p0 $0x100;
	[sflag:s23] =	ssyncadd.s32 $0xFFFFC000  }
0x37: {  	[tilespmem:s0], [sflag:$0x1] =	stream.indirect.gather @!p0 [hbm4b:s3+s5], $0x40, s4, s5, $0xb8;
	[tilespmem:$0x1A400] =	vst v63  }
0x38: {  	_ =	swait.ge [sflag:s24], $0x4000  }
0x39: {  	[sflag:s24] =	ssyncset.done $0x0  }
0x3a: {  	s6 =	rddreg [dreg:$0x5];
	[sflag:s24] =	ssyncadd.s32 $0xFFFFC000  }
0x3b: {  	[hbm4b:s6+s2] =	stream.linear.scatter [tilespmem:s16], [sflag:$0x8], $0x4000, $0x38;
	[tilespmem:$0x1A400] =	vst v63  }
0x3c: {  	_ =	swait.ge [sflag:s25], $0x4000  }
0x3d: {  	[sflag:s25] =	ssyncset.done $0x0  }
0x3e: {  	s0 =	simm.s32 @!p0 $0x600;
	s4 =	simm.s32 @!p0 $0xA400;
	[sflag:s25] =	ssyncadd.s32 $0xFFFFC000  }
0x3f: {  	[tilespmem:s4], [sflag:$0x2] =	stream.indirect.gather @!p0 [hbm4b:s3+s5], $0x40, s0, s5, $0xb8;
	[tilespmem:$0x1A400] =	vst v63  }
0x40: {  	_ =	swait.ge [sflag:s26], $0x4000  }
0x41: {  	[sflag:s26] =	ssyncset.done $0x0  }
0x42: {  	s11 =	simm.s32 $0x2800;
	s9 =	rddreg [dreg:$0x7];
	[sflag:s26] =	ssyncadd.s32 $0xFFFFC000  }
0x43: {  	[hbm4b:s9+s2] =	stream.linear.scatter [tilespmem:s18], [sflag:$0x9], $0x4000, $0x38;
	[tilespmem:$0x1A400] =	vst v63  }
0x44: {  	p1 =	por $0x0, $0x0;
	s19 =	sadd.s32 $0x2800, s8;
	_ =	swait.ge [sflag:s28], $0x4000  }
0x45: {  	s8 =	simm.s32 @!p0 $0xE400;
	s17 =	sadd.s32 $0x2800, s6;
	[sflag:s28] =	ssyncset.done $0x0  }
0x46: {  	s4 =	simm.s32 $0x1400;
	s0 =	simm.s32 @!p0 $0x700;
	[sflag:s28] =	ssyncadd.s32 $0xFFFFC000  }
0x47: {  	[tilespmem:s8], [sflag:$0x3] =	stream.indirect.gather @!p0 [hbm4b:s3+s5], $0x40, s0, s5, $0xb8;
	[tilespmem:$0x1A400] =	vst v63  }
0x48: {  	s15 =	sadd.s32 $0x2800, s9;
	s5 =	sadd.s32 $0x2800, s7;
	_ =	swait.ge [sflag:s29], $0x4000  }
0x49: {  	s0 =	sadd.s32 $0x2800, s30;
	s8 =	smov.u32 s30;
	[sflag:s29] =	ssyncset.done $0x0  }
.LBB2_2:
0x4a: {  	s6 =	simm.s32 @!p1 $0x9  }
0x4b: {  	[sflag:s29] =	ssyncadd.s32 $0xFFFFC000;
	s31 =	smov.u32 s11;
	s11 =	sadd.s32 $0x1400, s11  }
0x4c: {  	[hbm4b:s8+s2] =	stream.linear.scatter [tilespmem:s20], [sflag:$0xA], $0x4000, $0x38;
	[tilespmem:$0x1A400] =	vst v63  }
0x4d: {  	p0 =	sne.s32 s11, $0x19000;
	s8 =	smov.u32 s0;
	_ =	swait.ge @!p1 [sflag:s6], $0x4000  }
0x4e: {  	s7 =	sshra.s32 @!p1 s4, $0x2;
	s9 =	simm.s32 @!p1 $0x12400;
	[sflag:s6] =	ssyncset.done @!p1 $0x0  }
0x4f: {  	s10 =	simm.s32 @!p1 $0x100;
	[sflag:s6] =	ssyncadd.s32 @!p1 $0xFFFFC000;
	s6 =	sadd.s32 @!p1 $0x300, s7  }
0x50: {  	[tilespmem:s9], [sflag:$0x4] =	stream.indirect.gather @!p1 [hbm4b:s3+s10], $0x40, s6, s10, $0xb8;
	[tilespmem:$0x1A400] =	vst v63  }
0x51: {  	s6 =	sadd.s32 @!p1 $0x400, s7;
	_ =	swait.ge [sflag:s21], $0x4000  }
0x52: {  	[sflag:s21] =	ssyncset.done $0x0  }
0x53: {  	s7 =	simm.s32 @!p1 $0xA;
	[sflag:s21] =	ssyncadd.s32 $0xFFFFC000  }
0x54: {  	[hbm4b:s5+s2] =	stream.linear.scatter [tilespmem:s13], [sflag:$0x6], $0x4000, $0x38;
	[tilespmem:$0x1A400] =	vst v63  }
0x55: {  	_ =	swait.ge @!p1 [sflag:s7], $0x4000  }
0x56: {  	[sflag:s7] =	ssyncset.done @!p1 $0x0  }
0x57: {  	[sflag:s7] =	ssyncadd.s32 @!p1 $0xFFFFC000;
	s7 =	simm.s32 @!p1 $0x16400  }
0x58: {  	[tilespmem:s7], [sflag:$0x5] =	stream.indirect.gather @!p1 [hbm4b:s3+s10], $0x40, s6, s10, $0xb8;
	[tilespmem:$0x1A400] =	vst v63  }
0x59: {  	_ =	swait.ge [sflag:s22], $0x4000  }
0x5a: {  	[sflag:s22] =	ssyncset.done $0x0  }
0x5b: {  	[sflag:s22] =	ssyncadd.s32 $0xFFFFC000  }
0x5c: {  	[hbm4b:s19+s2] =	stream.linear.scatter [tilespmem:s14], [sflag:$0x7], $0x4000, $0x38;
	[tilespmem:$0x1A400] =	vst v63  }
0x5d: {  	p1 =	seq.s32 s4, $0x17C00;
	_ =	swait.ge [sflag:s23], $0x4000  }
0x5e: {  	s4 =	sshra.s32 @!p1 s4, $0x2;
	s6 =	simm.s32 @!p1 $0x6400;
	[sflag:s23] =	ssyncset.done $0x0  }
0x5f: {  	s9 =	simm.s32 @!p1 $0x100;
	s7 =	sadd.s32 @!p1 $0x500, s4;
	[sflag:s23] =	ssyncadd.s32 $0xFFFFC000  }
0x60: {  	[tilespmem:s6], [sflag:$0x1] =	stream.indirect.gather @!p1 [hbm4b:s3+s9], $0x40, s7, s9, $0xb8;
	[tilespmem:$0x1A400] =	vst v63  }
0x61: {  	s6 =	sadd.s32 @!p1 $0x600, s4;
	s7 =	sadd.s32 @!p1 $0x700, s4;
	_ =	swait.ge [sflag:s24], $0x4000  }
0x62: {  	s4 =	smov.u32 s31;
	[sflag:s24] =	ssyncset.done $0x0  }
0x63: {  	[sflag:s24] =	ssyncadd.s32 $0xFFFFC000  }
0x64: {  	[hbm4b:s17+s2] =	stream.linear.scatter [tilespmem:s16], [sflag:$0x8], $0x4000, $0x38;
	[tilespmem:$0x1A400] =	vst v63  }
0x65: {  	_ =	swait.ge [sflag:s25], $0x4000  }
0x66: {  	[sflag:s25] =	ssyncset.done $0x0  }
0x67: {  	s10 =	simm.s32 @!p1 $0xA400;
	[sflag:s25] =	ssyncadd.s32 $0xFFFFC000  }
0x68: {  	[tilespmem:s10], [sflag:$0x2] =	stream.indirect.gather @!p1 [hbm4b:s3+s9], $0x40, s6, s9, $0xb8;
	[tilespmem:$0x1A400] =	vst v63  }
0x69: {  	_ =	swait.ge [sflag:s26], $0x4000  }
0x6a: {  	[sflag:s26] =	ssyncset.done $0x0  }
0x6b: {  	[sflag:s26] =	ssyncadd.s32 $0xFFFFC000  }
0x6c: {  	[hbm4b:s15+s2] =	stream.linear.scatter [tilespmem:s18], [sflag:$0x9], $0x4000, $0x38;
	[tilespmem:$0x1A400] =	vst v63  }
0x6d: {  	_ =	swait.ge [sflag:s28], $0x4000  }
.Ltmp0:
0x6e: {  	s19 =	sadd.s32 $0x2800, s19;
	[sflag:s28] =	ssyncset.done $0x0;
	(pc) =	sbr.rel @p0 .LBB2_2-.Ltmp0, $4  }
0x6f: {  	s6 =	simm.s32 @!p1 $0xE400;
	s15 =	sadd.s32 $0x2800, s15;
	[sflag:s28] =	ssyncadd.s32 $0xFFFFC000  }
0x70: {  	[tilespmem:s6], [sflag:$0x3] =	stream.indirect.gather @!p1 [hbm4b:s3+s9], $0x40, s7, s9, $0xb8;
	[tilespmem:$0x1A400] =	vst v63  }
0x71: {  	s0 =	sadd.s32 $0x2800, s0;
	s5 =	sadd.s32 $0x2800, s5;
	_ =	swait.ge [sflag:s29], $0x4000  }
0x72: {  	s17 =	sadd.s32 $0x2800, s17;
	p1 =	seq.s32 s4, $0x0;
	[sflag:s29] =	ssyncset.done $0x0  }
0x73: {  	s6 =	simm.s32 @!p1 $0x9;
	[sflag:s29] =	ssyncadd.s32 $0xFFFFC000  }
0x74: {  	[hbm4b:s8+s2] =	stream.linear.scatter [tilespmem:s20], [sflag:$0xA], $0x4000, $0x38;
	[tilespmem:$0x1A400] =	vst v63  }
0x75: {  	_ =	swait.ge @!p1 [sflag:s6], $0x4000  }
0x76: {  	s7 =	sshra.s32 @!p1 s4, $0x2;
	s9 =	simm.s32 @!p1 $0x100;
	[sflag:s6] =	ssyncset.done @!p1 $0x0  }
0x77: {  	s8 =	simm.s32 @!p1 $0x12400;
	[sflag:s6] =	ssyncadd.s32 @!p1 $0xFFFFC000;
	s6 =	sadd.s32 @!p1 $0x300, s7  }
0x78: {  	[tilespmem:s8], [sflag:$0x4] =	stream.indirect.gather @!p1 [hbm4b:s3+s9], $0x40, s6, s9, $0xb8;
	[tilespmem:$0x1A400] =	vst v63  }
0x79: {  	_ =	swait.ge [sflag:s21], $0x4000  }
0x7a: {  	[sflag:s21] =	ssyncset.done $0x0  }
0x7b: {  	[sflag:s21] =	ssyncadd.s32 $0xFFFFC000  }
0x7c: {  	[hbm4b:s5+s2] =	stream.linear.scatter [tilespmem:s13], [sflag:$0x6], $0x4000, $0x38;
	[tilespmem:$0x1A400] =	vst v63  }
0x7d: {  	s5 =	simm.s32 @!p1 $0xA  }
0x7e: {  	_ =	swait.ge @!p1 [sflag:s5], $0x4000  }
0x7f: {  	[sflag:s5] =	ssyncset.done @!p1 $0x0  }
0x80: {  	s6 =	sadd.s32 @!p1 $0x400, s7;
	[sflag:s5] =	ssyncadd.s32 @!p1 $0xFFFFC000;
	s5 =	simm.s32 @!p1 $0x16400  }
0x81: {  	[tilespmem:s5], [sflag:$0x5] =	stream.indirect.gather @!p1 [hbm4b:s3+s9], $0x40, s6, s9, $0xb8;
	[tilespmem:$0x1A400] =	vst v63  }
0x82: {  	_ =	swait.ge [sflag:s22], $0x4000  }
0x83: {  	[sflag:s22] =	ssyncset.done $0x0  }
0x84: {  	[sflag:s22] =	ssyncadd.s32 $0xFFFFC000  }
0x85: {  	[hbm4b:s19+s2] =	stream.linear.scatter [tilespmem:s14], [sflag:$0x7], $0x4000, $0x38;
	[tilespmem:$0x1A400] =	vst v63  }
0x86: {  	p0 =	seq.s32 s4, $0x17C00;
	_ =	swait.ge [sflag:s23], $0x4000  }
0x87: {  	s4 =	sshra.s32 @!p0 s4, $0x2;
	s7 =	simm.s32 @!p0 $0x100;
	[sflag:s23] =	ssyncset.done $0x0  }
0x88: {  	s5 =	simm.s32 @!p0 $0x6400;
	s6 =	sadd.s32 @!p0 $0x500, s4;
	[sflag:s23] =	ssyncadd.s32 $0xFFFFC000  }
0x89: {  	[tilespmem:s5], [sflag:$0x1] =	stream.indirect.gather @!p0 [hbm4b:s3+s7], $0x40, s6, s7, $0xb8;
	[tilespmem:$0x1A400] =	vst v63  }
0x8a: {  	_ =	swait.ge [sflag:s24], $0x4000  }
0x8b: {  	[sflag:s24] =	ssyncset.done $0x0  }
0x8c: {  	[sflag:s24] =	ssyncadd.s32 $0xFFFFC000  }
0x8d: {  	[hbm4b:s17+s2] =	stream.linear.scatter [tilespmem:s16], [sflag:$0x8], $0x4000, $0x38;
	[tilespmem:$0x1A400] =	vst v63  }
0x8e: {  	_ =	swait.ge [sflag:s25], $0x4000  }
0x8f: {  	[sflag:s25] =	ssyncset.done $0x0  }
0x90: {  	s5 =	sadd.s32 @!p0 $0x600, s4;
	s6 =	simm.s32 @!p0 $0xA400;
	[sflag:s25] =	ssyncadd.s32 $0xFFFFC000  }
0x91: {  	[tilespmem:s6], [sflag:$0x2] =	stream.indirect.gather @!p0 [hbm4b:s3+s7], $0x40, s5, s7, $0xb8;
	[tilespmem:$0x1A400] =	vst v63  }
0x92: {  	_ =	swait.ge [sflag:s26], $0x4000  }
0x93: {  	[sflag:s26] =	ssyncset.done $0x0  }
0x94: {  	[sflag:s26] =	ssyncadd.s32 $0xFFFFC000  }
0x95: {  	[hbm4b:s15+s2] =	stream.linear.scatter [tilespmem:s18], [sflag:$0x9], $0x4000, $0x38;
	[tilespmem:$0x1A400] =	vst v63  }
0x96: {  	_ =	swait.ge [sflag:s28], $0x4000  }
0x97: {  	[sflag:s28] =	ssyncset.done $0x0  }
0x98: {  	s4 =	sadd.s32 @!p0 $0x700, s4;
	s5 =	simm.s32 @!p0 $0xE400;
	[sflag:s28] =	ssyncadd.s32 $0xFFFFC000  }
0x99: {  	[tilespmem:s5], [sflag:$0x3] =	stream.indirect.gather @!p0 [hbm4b:s3+s7], $0x40, s4, s7, $0xb8;
	[tilespmem:$0x1A400] =	vst v63  }
0x9a: {  	_ =	swait.ge [sflag:s29], $0x4000  }
0x9b: {  	[sflag:s29] =	ssyncset.done $0x0  }
0x9c: {  	s17 =	simm.s32 $0x9;
	[sflag:s29] =	ssyncadd.s32 $0xFFFFC000  }
0x9d: {  	[hbm4b:s0+s2] =	stream.linear.scatter [tilespmem:s20], [sflag:$0xA], $0x4000, $0x38;
	[tilespmem:$0x1A400] =	vst v63  }
0x9e: {  	_ =	swait.ge [sflag:s17], $0x4000  }
0x9f: {  	[sflag:s17] =	ssyncset.done $0x0  }
0xa0: {  	s19 =	simm.s32 $0xA;
	[sflag:s17] =	ssyncadd.s32 $0xFFFFC000  }
0xa1: {  	_ =	swait.ge [sflag:s19], $0x4000  }
0xa2: {  	s1 =	sadd.s32 $0x1, s1;
	s31 =	rddreg [dreg:$0x4]  }
0xa3: {  	p0 =	sne.s32 s1, s31  }
.Ltmp1:
0xa4: {  	_ = 	snop;
	(pc) =	sbr.rel @p0 .LBB2_1-.Ltmp1, $3  }
0xa5: {  	_ =	sdelay $0x1  }
0xa6: {  	[sflag:s19] =	ssyncset.done $0x0  }
0xa7: {  	[sflag:s19] =	ssyncadd.s32 $0xFFFFC000  }
0xa8: {  	_ =	sfence.sel $0x180000  }
0xa9: {  	[bflag:$0x0] =	sbarrier.arrive $0xFFFF  }
0xaa: {  	_ =	strace $0x90000047  }
0xab: {  	s0 =	stileid.u32;
	[bflag:$0x2] =	sbarrier.arrive $0xFFFF  }
0xac: {  	p0 =	sne.s32 s0, $0x0;
	s0 =	rddreg [dreg:$0x2]  }
0xad: {  	s0 =	sadd.s32 @!p0 $0x100000, s0  }
0xae: {  	[sflag:s0] =	ssyncadd.tile.s32 @!p0 $0x1;
	_ =	shalt  }
.Lfunc_end2:
_tile_overlayer_lowered:
.L_overlay_start_2:
0xaf: {  	(tag) =	ssettag $0x2  }
0xb0: {  	s0 =	rddreg [dreg:$0x0];
	s2 =	stileid.u32  }
0xb1: {  	s1 =	rddreg [dreg:$0x1];
	p0 =	sne.s32 s2, $0x0  }
0xb2: {  	s3 =	rddreg [dreg:$0x2];
	[bflag:$0x3] =	sbarrier.arrive $0xFFFF;
	s2 =	simm.s32 @!p0 $0x1C0B  }
0xb3: {  	[timem:s3], [sflag:s2] =	dma.local @!p0 [hbm:s0], s1  }
0xb4: {  	s0 =	simm.s32 @!p0 $0xB  }
0xb5: {  	_ =	swait.ge @!p0 [sflag:s0], s1  }
0xb6: {  	s1 =	ssub.s32 @!p0 $0x0, s1;
	[sflag:s0] =	ssyncset.done @!p0 $0x0  }
0xb7: {  	[sflag:s0] =	ssyncadd.s32 @!p0 s1  }
0xb8: {  	[bflag:$0x3] =	sbarrier.arrive $0xFFFF  }
0xb9: {  	_ =	shalt  }

// kernel: sparse-core-data-format-call.cloned.1.call-start
scs
called_computation_lowered:
.L_overlay_start_0:
0x0: {  	s2 =	sld [smem:$0x3FD9]  }
0x1: {  	s3 =	sld [smem:$0x3FFE];
	_ =	sdelay $0x1  }
0x2: {  	s1 =	srdreg.scid  }
0x3: {  	s0 =	sand.u32 $0x1, s1  }
0x4: {  	s18 =	sshll.u32 s0, $0xA;
	s2 =	sadd.s32 s3, s2  }
0x5: {  	s2 =	sadd.s32 s2, s18  }
0x6: {  	[smem:$0x3FC6] =	sst s2  }
0x7: {  	_ = 	snop  }
0x8: {  	s2 =	sld [smem:$0x3FD0];
	(tm) =	ssettm $0x1  }
0x9: {  	s19 =	sld [smem:$0x3FFB];
	_ =	sdelay $0x3  }
0xa: {  	_ =	strace s19  }
0xb: {  	s3 =	sld [smem:$0x3FFC];
	_ =	sdelay $0x3  }
0xc: {  	_ =	strace s3  }
0xd: {  	s3 =	sld [smem:$0x3FFD];
	_ =	sdelay $0x3  }
0xe: {  	_ =	strace s3  }
0xf: {  	_ =	strace $0x8FFFFFFF  }
0x10: {  	s20 =	sld [smem:$0x3FDB];
	_ =	sdelay $0x1  }
0x11: {  	s4 =	simm.s32 $_scs_section_size  }
0x12: {  	s5 =	simm.s32 $_size__tile_overlayer_lowered;
	s6 =	simm.s32 $_tile_overlayer_lowered  }
0x13: {  	s23 =	simm.s32 $0x1BFF;
	s22 =	sshll.u32 s6, $0x1;
	s3 =	sadd.s32 s4, s20  }
0x14: {  	s7 =	simm.s32 $0x0;
	s21 =	sshll.u32 s5, $0x1;
	s5 =	sadd.s32 s22, s3  }
0x15: {  	[timem:s7], [sflag:s23] =	dma.local [hbm:s5], s21  }
0x16: {  	_ =	swait.ge [sflag:s23], s21  }
0x17: {  	s4 =	ssub.s32 $0x0, s21;
	[sflag:s23] =	ssyncset.done $0x0  }
0x18: {  	[sflag:s23] =	ssyncadd.s32 s4;
	_ =	sdelay $0x1  }
0x19: {  	s24 =	simm.s32 $0x1B8B  }
0x1a: {  	_ =	swait.ge [sflag:s24], $0x1  }
0x1b: {  	[sflag:s24] =	ssyncset.done $0x0  }
0x1c: {  	s26 =	simm.s32 $0x1B8E;
	s25 =	sld [smem:$0x3FFE];
	[sflag:s24] =	ssyncadd.s32 $0xFFFFFFFF  }
0x1d: {  	s27 =	simm.s32 $execute0_lowered;
	[smem:$0x3FD2] =	sst s26  }
0x1e: {  	s5 =	sshll.u32 s27, $0x1;
	_ =	strace $0x80000049;
	[dreg:$0x1] =	wrdreg $0xFFFFFFFF  }
0x1f: {  	s28 =	simm.s32 $_size_execute0_lowered;
	s3 =	sadd.s32 s3, s5;
	[dreg:$0x0] =	wrdreg $0x0  }
0x20: {  	s5 =	sshll.u32 s28, $0x1;
	[dreg:$0x2] =	wrdreg s3  }
0x21: {  	[dreg:$0x3] =	wrdreg s5  }
0x22: {  	[dreg:$0x4] =	wrdreg $0xC0  }
0x23: {  	_ =	task [dreg:s7], $0x5FFFF  }
0x24: {  	[dreg:$0x1] =	wrdreg $0xFFFFFFFF  }
0x25: {  	[dreg:$0x0] =	wrdreg $0x60  }
0x26: {  	[dreg:$0x2] =	wrdreg s25  }
0x27: {  	[dreg:$0x3] =	wrdreg s2  }
0x28: {  	[dreg:$0x4] =	wrdreg $0x9  }
0x29: {  	_ =	task.clear_ibuf [dreg:s7], $0x5FFFF;
	_ =	strace $0x90000049  }
0x2a: {  	s29 =	simm.s32 $0x9;
	_ =	strace $0x8000004B  }
0x2b: {  	_ =	swait.ge [sflag:s29], $0x1  }
0x2c: {  	[sflag:s29] =	ssyncadd.s32 $0xFFFFFFFF  }
0x2d: {  	_ =	strace $0x9000004B  }
0x2e: {  	_ =	sfence  }
0x2f: {  	s30 =	sld [smem:$0x0];
	_ =	sdelay $0x2  }
0x30: {  	s31 =	sshll.u32 s1, $0xD;
	s1 =	sshrl.u32 s1, $0x2  }
0x31: {  	s3 =	sand.u32 $0x4000, s31;
	s1 =	sadd.s32 s1, s30  }
0x32: {  	s0 =	sor.u32 s3, s0;
	s1 =	sshll.u32 s1, $0x11  }
0x33: {  	s0 =	sor.u32 s1, s0  }
0x34: {  	s0 =	sadd.s32 $0x8F2B, s0  }
0x35: {  	[sflag:s0] =	ssyncadd.remote.s32 $0x1  }
0x36: {  	_ =	sfence.sel $0xFFFF  }
0x37: {  	[dreg:$0x0] =	wrdreg $0xFFFFFFFF;
	(pc) =	sbr.abs _section_cstart, $3  }
0x38: {  	[dreg:$0x1] =	wrdreg $0xFFFFFFFF  }
0x39: {  	_ =	task.clear_ibuf [dreg:s7], $0x2FFFF;
	_ =	strace $0x9FFFFFFF  }
0x3a: {  	(tm) =	ssettm $0x7FFFFFFF  }
0x3b: {  	_ =	shalt  }
tec
execute0_lowered:
.L_overlay_start_1:
0x0: {  	(tag) =	ssettag $0x1  }
0x1: {  	s0 =	srdreg.scid  }
0x2: {  	s1 =	sshll.u32 s0, $0x4  }
0x3: {  	s0 =	stileid.u32;
	s1 =	sand.u32 $0x10, s1  }
0x4: {  	s1 =	sor.u32 s0, s1  }
0x5: {  	s6 =	rddreg [dreg:$0x0];
	s4 =	simm.s32 $0x1;
	s2 =	sshll.u32 s1, $0x7  }
0x6: {  	s7 =	simm.s32 $0x2;
	s12 =	simm.s32 $0x0;
	s1 =	ssub.s32 $0x1000, s2  }
0x7: {  	s8 =	simm.s32 $0x8000;
	s13 =	simm.s32 $0x0;
	s3 =	sand.u32 $0xF80, s1  }
0x8: {  	s9 =	simm.s32 $0x0;
	s5 =	sshrl.u32 s1, $0xC;
	p0 =	sne.s32 s3, $0x0  }
.Ltmp0:
0x9: {  	s1 =	rddreg [dreg:$0x2];
	s4 =	simm.s32 @!p0 $0x0;
	(pc) =	sbr.rel .LBB1_1-.Ltmp0, $4  }
0xa: {  	s11 =	simm.s32 $0x0;
	s3 =	rddreg [dreg:$0x1];
	s5 =	sadd.s32 s4, s5  }
0xb: {  	_ =	strace $0x8000004A;
	s4 =	simm.s32 $0x1;
	s5 =	smul.u32 $0xC8, s5  }
0xc: {  	s6 =	sadd.s32 $0xA00, s6;
	s10 =	smov.u32 s2;
	[sflag:s4] =	ssyncpa.u1 $0x0  }
0xd: {  	p0 =	por $0x0, $0x0;
	[sflag:s7] =	ssyncpa.u1 $0x0;
	s7 =	sor.u32 $0x1, s5  }
.LBB1_4:
0xe: {  	s16 =	sshll.u32 s13, $0x3;
	s17 =	sand.u32 $0x78, s13  }
0xf: {  	s30 =	sand.u32 $0x7E00, s13;
	s12 =	sshll.u32 s12, $0xF;
	s16 =	sand.u32 $0xC00, s16  }
0x10: {  	[tilespmem:s15+$0x810 ss:$0x81] =	vst.msk $0xffff, v2;
	s31 =	sand.u32 $0x7, s13;
	s16 =	sor.u32 s17, s16;
	s17 =	sadd.s32 s3, s30  }
0x11: {  	[tilespmem:s15+$0x1020 ss:$0x81] =	vst.msk $0xffff, v0;
	s13 =	sshll.u32 s31, $0x12;
	s12 =	sadd.s32 s12, s17;
	s16 =	sshrl.u32 s16, $0x3  }
0x12: {  	[tilespmem:s15+$0x0 ss:$0x81] =	vst.msk $0xffff, v1;
	s13 =	sor.u32 $0x400, s13;
	s12 =	sadd.s32 s16, s12  }
0x13: {  	[hbm4b:s12+s13] =	stream.strided.scatter [tilespmem:s14], [sflag:$0x2], $0x2000, s8, s13, $0x20;
	[tilespmem:$0x8080] =	vst v63  }
.LBB1_5:
0x14: {  	s14 =	sadd.s32 $0x1, s9  }
0x15: {  	s12 =	sadd.s32 $0x1000, s10;
	s16 =	smov.u32 s10;
	p2 =	sgt.s32 s14, $0xC7  }
0x16: {  	s16 =	smov.u32 @p2 s12  }
0x17: {  	s14 =	simm.s32 @p2 $0x0;
	p2 =	sgt.s32 s16, $0xFFF  }
0x18: {  	s16 =	smov.u32 @p2 s2;
	p2 =	sne.s32 s11, s7  }
.Ltmp1:
0x19: {  	p1 =	slt.u32 s11, $0x2;
	(pc) =	sbr.rel @!p2 .LBB1_6-.Ltmp1, $4  }
0x1a: {  	s15 =	simm.s32 @!p1 $0x2  }
0x1b: {  	s13 =	smov.u32 s10;
	p0 =	por !p0, !p0;
	_ =	swait.ge @!p1 [sflag:s15], $0x2000  }
0x1c: {  	s12 =	smov.u32 s9;
	[sflag:s15] =	ssyncset.done @!p1 $0x0;
	s9 =	smov.u32 s14  }
0x1d: {  	s11 =	sadd.s32 $0x1, s11;
	[sflag:s15] =	ssyncadd.s32 @!p1 $0xFFFFE000;
	s10 =	smov.u32 s16  }
.LBB1_1:
0x1e: {  	p1 =	sge.u32 s11, s5  }
0x1f: {  	s14 =	sand.u32 @!p1 $0x1FFFFFF, s9  }
0x20: {  	s15 =	smulhi.u32 @!p1 $0x147AE15, s14;
	_ =	sdelay $0x1  }
0x21: {  	s15 =	smul.u32 @!p1 $0xC8, s15  }
0x22: {  	s16 =	sxor.u32 @!p1 $0xFFFFFFFF, s11;
	s17 =	smul.u32 @!p1 $0xC80, s10  }
0x23: {  	s31 =	sadd.s32 $0xFFFFFFFF, s11;
	s16 =	sshll.u32 @!p1 s16, $0xD;
	s14 =	ssub.s32 @!p1 s14, s15  }
0x24: {  	s15 =	sand.u32 @!p1 $0x2000, s16;
	s16 =	sadd.s32 @!p1 s6, s17;
	s14 =	sshll.u32 @!p1 s14, $0x4  }
0x25: {  	s17 =	simm.s32 @!p1 $0x6400;
	s14 =	sadd.s32 @!p1 s14, s16;
	s16 =	simm.s32 @!p1 $0x40  }
0x26: {  	[tilespmem:s15], [sflag:$0x1] =	stream.strided.gather @!p1 [hbm4b:s14+s16], $0x2000, s17, s16, $0x38;
	[tilespmem:$0x8080] =	vst v63  }
0x27: {  	p1 =	sge.u32 s31, s5  }
.Ltmp2:
0x28: {  	_ = 	snop;
	(pc) =	sbr.rel @p1 .LBB1_5-.Ltmp2, $1  }
0x29: {  	_ =	sdelay $0x3  }
0x2a: {  	s14 =	simm.s32 $0x1  }
0x2b: {  	_ =	swait.ge [sflag:s4], $0x2000;
	s14 =	simm.s32 @!p0 $0x0  }
0x2c: {  	[sflag:s4] =	ssyncset.done $0x0;
	s15 =	sshll.u32 s14, $0xD  }
0x2d: {  	[sflag:s4] =	ssyncadd.s32 $0xFFFFE000;
	s18 =	sor.u32 $0x20, s15  }
0x2e: {  	s14 =	smul.u32 $0x8100, s14;
	v3 =	vld [tilespmem:s18+$0x10]  }
0x2f: {  	s30 =	sand.u32 $0x1, s11;
	v2 =	vld [tilespmem:s18+$0xFFFFFFF0]  }
0x30: {  	s15 =	smul.u32 $0x8100, s30;
	s14 =	sshrl.u32 s14, $0x2;
	v0 =	vld [tilespmem:s18+$0x0]  }
0x31: {  	v1 =	vld [tilespmem:s18+$0xFFFFFFE0];
	s16 =	sor.u32 $0x4000, s14  }
0x32: {  	s31 =	sshrl.u32 s15, $0x2;
	s15 =	sadd.s32 $0x0, s16  }
0x33: {  	s17 =	simm.s32 $0x4;
	s18 =	sadd.s32 $0x40, s18;
	s14 =	sor.u32 $0x4000, s31;
	[tilespmem:s15+$0x1830 ss:$0x81] =	vst.msk $0xffff, v3  }
.LBB1_3:
0x34: {  	v3 =	vld [tilespmem:s18+$0x10];
	p1 =	sne.s32 s17, $0x1FC;
	[tilespmem:s15+$0x810 ss:$0x81] =	vst.msk $0xffff, v2;
	s19 =	smov.u32 s17;
	s17 =	sadd.s32 $0x4, s17  }
.Ltmp3:
0x35: {  	v2 =	vld [tilespmem:s18+$0xFFFFFFF0];
	[tilespmem:s15+$0x1020 ss:$0x81] =	vst.msk $0xffff, v0;
	(pc) =	sbr.rel @p1 .LBB1_3-.Ltmp3, $4  }
0x36: {  	v0 =	vld [tilespmem:s18+$0x0];
	[tilespmem:s15+$0x0 ss:$0x81] =	vst.msk $0xffff, v1  }
0x37: {  	s15 =	sshra.s32 s19, $0x2;
	v1 =	vld [tilespmem:s18+$0xFFFFFFE0]  }
0x38: {  	s15 =	sadd.s32 s15, s16  }
0x39: {  	s18 =	sadd.s32 $0x40, s18;
	[tilespmem:s15+$0x1830 ss:$0x81] =	vst.msk $0xffff, v3  }
.Ltmp4:
0x3a: {  	_ = 	snop;
	(pc) =	sbr.rel .LBB1_4-.Ltmp4, $1  }
0x3b: {  	_ =	sdelay $0x3  }
.LBB1_6:
0x3c: {  	_ =	sfence.sel $0x180000  }
0x3d: {  	s2 =	simm.s32 $0x1;
	[bflag:$0x0] =	sbarrier.arrive $0xFFFF  }
0x3e: {  	s31 =	simm.s32 $0x2;
	[sflag:s2] =	ssyncpa.u1 $0x1  }
0x3f: {  	[sflag:s31] =	ssyncpa.u1 $0x1  }
0x40: {  	p0 =	sne.s32 s0, $0x0;
	_ =	strace $0x9000004A  }
0x41: {  	s0 =	sadd.s32 @!p0 $0x100000, s1;
	[bflag:$0x2] =	sbarrier.arrive $0xFFFF  }
0x42: {  	[sflag:s0] =	ssyncadd.tile.s32 @!p0 $0x1;
	_ =	shalt  }
.Lfunc_end1:
_tile_overlayer_lowered:
.L_overlay_start_2:
0x43: {  	(tag) =	ssettag $0x2  }
0x44: {  	s0 =	rddreg [dreg:$0x0];
	s2 =	stileid.u32  }
0x45: {  	s1 =	rddreg [dreg:$0x1];
	p0 =	sne.s32 s2, $0x0  }
0x46: {  	s3 =	rddreg [dreg:$0x2];
	[bflag:$0x3] =	sbarrier.arrive $0xFFFF;
	s2 =	simm.s32 @!p0 $0x1C01  }
0x47: {  	[timem:s3], [sflag:s2] =	dma.local @!p0 [hbm:s0], s1  }
0x48: {  	s0 =	simm.s32 @!p0 $0x1  }
0x49: {  	_ =	swait.ge @!p0 [sflag:s0], s1  }
0x4a: {  	s1 =	ssub.s32 @!p0 $0x0, s1;
	[sflag:s0] =	ssyncset.done @!p0 $0x0  }
0x4b: {  	[sflag:s0] =	ssyncadd.s32 @!p0 s1  }
0x4c: {  	[bflag:$0x3] =	sbarrier.arrive $0xFFFF  }
0x4d: {  	_ =	shalt  }

</sc_bundles>
